<compile_context>
chip_gen: v7x
topology: tpu7x:2x2x1
jax: 0.10.2.dev20260603
libtpu: 0.0.44.dev20260713+nightly
codegen_flags: <defaults>
</compile_context>

<pallas_src>
import jax
import jax.numpy as jnp
from jax import lax
from jax.experimental import pallas as pl

_PRE_NMS_THRESH = 0.05
_PRE_NMS_TOP_N = 1000
_POST_TOP_N = 100
_NMS_IOU = 0.5
_PAD = 1024


def _score_body(cls_ref, ctr_ref, tag_ref, masked_ref, lab_ref, tago_ref):
    x = cls_ref[0]
    sig = jax.nn.sigmoid(x)
    smax = jnp.max(sig, axis=0, keepdims=True)
    c_iota = lax.broadcasted_iota(jnp.int32, x.shape, 0)
    is_max = sig == smax
    lab = jnp.min(jnp.where(is_max, c_iota, x.shape[0]), axis=0, keepdims=True)
    ctr = jax.nn.sigmoid(ctr_ref[0])
    scores = smax * ctr
    masked_ref[0] = jnp.where(smax > _PRE_NMS_THRESH, scores, -1.0)
    lab_ref[0] = lab + 1
    tago_ref[0] = jnp.round(tag_ref[0]).astype(jnp.int32)


def _score_stage(cls3, ctr3, tag3):
    N, C, HW = cls3.shape
    grid = (N,)
    in_specs = [
        pl.BlockSpec((1, C, HW), lambda n: (n, 0, 0)),
        pl.BlockSpec((1, 1, HW), lambda n: (n, 0, 0)),
        pl.BlockSpec((1, 1, HW), lambda n: (n, 0, 0)),
    ]
    out_specs = [
        pl.BlockSpec((1, 1, HW), lambda n: (n, 0, 0)),
        pl.BlockSpec((1, 1, HW), lambda n: (n, 0, 0)),
        pl.BlockSpec((1, 1, HW), lambda n: (n, 0, 0)),
    ]
    out_shape = [
        jax.ShapeDtypeStruct((N, 1, HW), jnp.float32),
        jax.ShapeDtypeStruct((N, 1, HW), jnp.int32),
        jax.ShapeDtypeStruct((N, 1, HW), jnp.int32),
    ]
    masked, lab, tag = pl.pallas_call(
        _score_body, grid=grid, in_specs=in_specs, out_specs=out_specs,
        out_shape=out_shape,
    )(cls3, ctr3, tag3)
    return masked.reshape(N, HW), lab.reshape(N, HW), tag.reshape(N, HW)


def _nms_body(tv_ref, lx_ref, ly_ref, r0_ref, r1_ref, r2_ref, r3_ref,
              lab_ref, tag_ref, wm1_ref, hm1_ref,
              fin_ref, d1_ref, d2_ref, d3_ref, d4_ref):
    N = tv_ref.shape[0]
    for n in range(N):
        tv = tv_ref[n]
        lx, ly = lx_ref[n], ly_ref[n]
        wm1, hm1 = wm1_ref[n], hm1_ref[n]
        zero = jnp.float32(0.0)
        x1 = jnp.minimum(jnp.maximum(lx - r0_ref[n], zero), wm1)
        y1 = jnp.minimum(jnp.maximum(ly - r1_ref[n], zero), hm1)
        x2 = jnp.minimum(jnp.maximum(lx + r2_ref[n], zero), wm1)
        y2 = jnp.minimum(jnp.maximum(ly + r3_ref[n], zero), hm1)
        ws = x2 - x1 + 1.0
        hs = y2 - y1 + 1.0
        valid = (tv > 0.0) & (ws >= 0.0) & (hs >= 0.0)
        validf = jnp.where(valid, 1.0, 0.0)
        off = lab_ref[n] * 100000.0 + tag_ref[n] * 10000.0
        bx1, by1 = x1 + off, y1 + off
        bx2, by2 = x2 + off, y2 + off
        areas = (bx2 - bx1 + 1.0) * (by2 - by1 + 1.0)
        row = lax.broadcasted_iota(jnp.int32, (8, 128), 0)
        col = lax.broadcasted_iota(jnp.int32, (8, 128), 1)
        idx = row * 128 + col
        neg = jnp.float32(-3.0e38)

        def body(i, keep_f):
            sel = idx == i
            xi1 = jnp.max(jnp.where(sel, bx1, neg))
            yi1 = jnp.max(jnp.where(sel, by1, neg))
            xi2 = jnp.max(jnp.where(sel, bx2, neg))
            yi2 = jnp.max(jnp.where(sel, by2, neg))
            ki = jnp.max(jnp.where(sel, keep_f, 0.0))
            ai = (xi2 - xi1 + 1.0) * (yi2 - yi1 + 1.0)
            iw = jnp.maximum(jnp.minimum(xi2, bx2) - jnp.maximum(xi1, bx1) + 1.0, 0.0)
            ih = jnp.maximum(jnp.minimum(yi2, by2) - jnp.maximum(yi1, by1) + 1.0, 0.0)
            inter = iw * ih
            iou = inter / (ai + areas - inter)
            sup = jnp.where((iou > _NMS_IOU) & (idx > i), 1.0, 0.0)
            return keep_f * (1.0 - sup * ki)

        keep_f = lax.fori_loop(0, _PRE_NMS_TOP_N, body, validf)
        fin_ref[n] = jnp.where(keep_f > 0.0, tv, -1.0)
        d1_ref[n] = x1
        d2_ref[n] = y1
        d3_ref[n] = x2
        d4_ref[n] = y2


def _nms_stage(tv, lx, ly, r0, r1, r2, r3, labf, tagf, wm1, hm1):
    N = tv.shape[0]
    out_shape = [jax.ShapeDtypeStruct((N, 8, 128), jnp.float32)] * 5
    return pl.pallas_call(_nms_body, out_shape=out_shape)(
        tv, lx, ly, r0, r1, r2, r3, labf, tagf, wm1, hm1)


def _pad_tile(x, fill):
    N, K = x.shape
    return jnp.pad(x, ((0, 0), (0, _PAD - K)), constant_values=fill).reshape(N, 8, 128)


def kernel(locations, box_cls, box_regression, centerness, lof_tag, image_sizes):
    N, C, H, W = box_cls.shape
    HW = H * W
    masked, labels, tags = _score_stage(
        box_cls.reshape(N, C, HW),
        centerness.reshape(N, 1, HW),
        lof_tag.reshape(N, 1, HW),
    )
    topv, topi = lax.top_k(masked, _PRE_NMS_TOP_N)
    loc_g = jnp.take(locations, topi, axis=0)
    regr = box_regression.reshape(N, 4, HW)
    reg_g = jnp.take_along_axis(regr, topi[:, None, :], axis=2)
    lab_g = jnp.take_along_axis(labels, topi, axis=1)
    tag_g = jnp.take_along_axis(tags, topi, axis=1)

    img = image_sizes.astype(jnp.float32)
    wm1 = jnp.broadcast_to((img[:, 1] - 1.0)[:, None], (N, _PAD)).reshape(N, 8, 128)
    hm1 = jnp.broadcast_to((img[:, 0] - 1.0)[:, None], (N, _PAD)).reshape(N, 8, 128)

    fin, d1, d2, d3, d4 = _nms_stage(
        _pad_tile(topv, -1.0),
        _pad_tile(loc_g[:, :, 0], 0.0), _pad_tile(loc_g[:, :, 1], 0.0),
        _pad_tile(reg_g[:, 0, :], 0.0), _pad_tile(reg_g[:, 1, :], 0.0),
        _pad_tile(reg_g[:, 2, :], 0.0), _pad_tile(reg_g[:, 3, :], 0.0),
        _pad_tile(lab_g.astype(jnp.float32), 0.0),
        _pad_tile(tag_g.astype(jnp.float32), 0.0),
        wm1, hm1,
    )
    final = fin.reshape(N, _PAD)[:, :_PRE_NMS_TOP_N]
    det = jnp.stack([d1, d2, d3, d4], axis=-1).reshape(N, _PAD, 4)[:, :_PRE_NMS_TOP_N]
    fv, fi = lax.top_k(final, _POST_TOP_N)
    out_boxes = jnp.take_along_axis(det, fi[:, :, None], axis=1)
    out_labels = jnp.take_along_axis(lab_g, fi, axis=1)
    out_tags = jnp.take_along_axis(tag_g, fi, axis=1)
    return out_boxes, fv, out_labels, out_tags

# --- scband reference (transcript-rebuilt; emitter-appended) ---
"""Pipeline reference for scband-lofpost-processor-89026082111909 (READ-ONLY COPY).

The authoritative reference and input builder live on the scoring server;
editing this copy changes nothing except your own understanding.
"""

import jax, jax.numpy as jnp
import numpy as np

PRE_NMS_THRESH = 0.05
PRE_NMS_TOP_N = 1000
FPN_POST_NMS_TOP_N = 100
MIN_SIZE = 0
NUM_CLASSES = 80
NUM_LOF = 1
NMS_IOU = 0.5


def setup_inputs(seed: int = 0):
    key = jax.random.key(seed)
    k1, k2, k3, k4, k5 = jax.random.split(key, 5)
    N, C, H, W = 2, NUM_CLASSES, 100, 200
    locations = jax.random.uniform(k1, (H * W, 2), dtype=jnp.float32) * 800.0
    box_cls = jax.random.normal(k2, (N, C, H, W), dtype=jnp.float32)
    box_regression = jax.random.uniform(k3, (N, 4, H, W), dtype=jnp.float32) * 50.0
    centerness = jax.random.normal(k4, (N, 1, H, W), dtype=jnp.float32)
    lof_tag = jax.random.normal(k5, (N, NUM_LOF, H, W), dtype=jnp.float32)
    image_sizes = jnp.array([[800, 1333], [800, 1333]], dtype=jnp.int32)
    return {"locations": locations, "box_cls": box_cls, "box_regression": box_regression,
            "centerness": centerness, "lof_tag": lof_tag, "image_sizes": image_sizes}


def _nms_keep(boxes, scores, valid):
    # boxes [K,4] already class/tag offset; greedy NMS, returns bool keep mask in original order
    K = boxes.shape[0]
    s = jnp.where(valid, scores, -jnp.inf)
    order = jnp.argsort(-s)
    b = boxes[order]
    areas = (b[:, 2] - b[:, 0] + 1.0) * (b[:, 3] - b[:, 1] + 1.0)
    idx = jnp.arange(K)

    def body(i, keep):
        xx1 = jnp.maximum(b[i, 0], b[:, 0])
        yy1 = jnp.maximum(b[i, 1], b[:, 1])
        xx2 = jnp.minimum(b[i, 2], b[:, 2])
        yy2 = jnp.minimum(b[i, 3], b[:, 3])
        inter = jnp.maximum(xx2 - xx1 + 1.0, 0.0) * jnp.maximum(yy2 - yy1 + 1.0, 0.0)
        iou = inter / (areas[i] + areas - inter)
        suppress = (iou > NMS_IOU) & (idx > i) & keep[i]
        return keep & (~suppress)

    keep_sorted = jax.lax.fori_loop(0, K, body, jnp.ones((K,), dtype=bool))
    keep = jnp.zeros((K,), dtype=bool).at[order].set(keep_sorted)
    return keep


def reference(locations, box_cls, box_regression, centerness, lof_tag, image_sizes):
    N, C, H, W = box_cls.shape
    cls = jax.nn.sigmoid(jnp.transpose(box_cls, (0, 2, 3, 1)).reshape(N, -1, C))
    reg = jnp.transpose(box_regression, (0, 2, 3, 1)).reshape(N, -1, 4)
    ctr = jax.nn.sigmoid(jnp.transpose(centerness, (0, 2, 3, 1)).reshape(N, -1))
    tag = jnp.round(jnp.transpose(lof_tag, (0, 2, 3, 1)).reshape(N, -1)).astype(jnp.int32)
    scores_max = jnp.max(cls, axis=-1)
    labels = jnp.argmax(cls, axis=-1) + 1
    cand = scores_max > PRE_NMS_THRESH
    scores = scores_max * ctr
    masked = jnp.where(cand, scores, -1.0)

    out_boxes, out_scores, out_labels, out_tags = [], [], [], []
    for i in range(N):
        topv, topi = jax.lax.top_k(masked[i], PRE_NMS_TOP_N)
        loc_i = locations[topi]
        reg_i = reg[i][topi]
        lab_i = labels[i][topi]
        tag_i = tag[i][topi]
        det = jnp.stack([loc_i[:, 0] - reg_i[:, 0],
                         loc_i[:, 1] - reg_i[:, 1],
                         loc_i[:, 0] + reg_i[:, 2],
                         loc_i[:, 1] + reg_i[:, 3]], axis=1)
        h = image_sizes[i, 0].astype(jnp.float32)
        w = image_sizes[i, 1].astype(jnp.float32)
        det = jnp.stack([jnp.clip(det[:, 0], 0.0, w - 1.0),
                         jnp.clip(det[:, 1], 0.0, h - 1.0),
                         jnp.clip(det[:, 2], 0.0, w - 1.0),
                         jnp.clip(det[:, 3], 0.0, h - 1.0)], axis=1)
        ws = det[:, 2] - det[:, 0] + 1.0
        hs = det[:, 3] - det[:, 1] + 1.0
        valid = (topv > 0.0) & (ws >= MIN_SIZE) & (hs >= MIN_SIZE)
        off = lab_i.astype(jnp.float32) * 100000.0 + tag_i.astype(jnp.float32) * 10000.0
        keep = _nms_keep(jax.lax.stop_gradient(det + off[:, None]),
                         jax.lax.stop_gradient(topv), valid)
        final = jnp.where(keep & valid, topv, -1.0)
        fv, fi = jax.lax.top_k(final, FPN_POST_NMS_TOP_N)
        out_boxes.append(det[fi])
        out_scores.append(fv)
        out_labels.append(lab_i[fi])
        out_tags.append(tag_i[fi])
    return (jnp.stack(out_boxes), jnp.stack(out_scores),
            jnp.stack(out_labels), jnp.stack(out_tags))

if __name__ == "__main__":
    import jax
    _d = setup_inputs()
    print(jax.jit(kernel)(*tuple(_d.values())))

</pallas_src>

<mosaic_0001>
module attributes {stable_mosaic.version = 14 : i64} {
  func.func @_score_body(%arg0: i32, %arg1: memref<1x80x20000xf32, #tpu.memory_space<vmem>>, %arg2: memref<1x1x20000xf32, #tpu.memory_space<vmem>>, %arg3: memref<1x1x20000xf32, #tpu.memory_space<vmem>>, %arg4: memref<1x1x20000xf32, #tpu.memory_space<vmem>>, %arg5: memref<1x1x20000xi32, #tpu.memory_space<vmem>>, %arg6: memref<1x1x20000xi32, #tpu.memory_space<vmem>>) attributes {dimension_semantics = [#tpu.dimension_semantics<arbitrary>], iteration_bounds = array<i64: 2>, scalar_prefetch = 0 : i64, scratch_operands = 0 : i64, tpu.core_type = #tpu.core_type<tc>, window_params = [{transform_indices = @transform_0, window_bounds = array<i64: 1, 80, 20000>}, {transform_indices = @transform_1, window_bounds = array<i64: 1, 1, 20000>}, {transform_indices = @transform_2, window_bounds = array<i64: 1, 1, 20000>}, {transform_indices = @transform_3, window_bounds = array<i64: 1, 1, 20000>}, {transform_indices = @transform_4, window_bounds = array<i64: 1, 1, 20000>}, {transform_indices = @transform_5, window_bounds = array<i64: 1, 1, 20000>}]} {
    %get3A = arith.constant 0 : index
    %get3A_0 = arith.constant 0 : index
    %get3A_1 = arith.constant 0 : index
    %get3A_2 = vector.load %arg1[%get3A, %get3A_0, %get3A_1] : memref<1x80x20000xf32, #tpu.memory_space<vmem>>, vector<1x80x20000xf32>
    %get3A_3 = vector.shape_cast %get3A_2 : vector<1x80x20000xf32> to vector<80x20000xf32>
    %logistic3A = arith.negf %get3A_3 : vector<80x20000xf32>
    %logistic3A_4 = math.exp %logistic3A : vector<80x20000xf32>
    %logistic3A_5 = arith.constant 1.000000e+00 : f32
    %logistic3A_6 = vector.broadcast %logistic3A_5 : f32 to vector<80x20000xf32>
    %logistic3A_7 = arith.addf %logistic3A_6, %logistic3A_4 : vector<80x20000xf32>
    %logistic3A_8 = arith.divf %logistic3A_6, %logistic3A_7 : vector<80x20000xf32>
    %reduce_max3A = arith.constant dense<0xFF800000> : vector<20000xf32>
    %reduce_max3A_9 = vector.multi_reduction <maximumf>, %logistic3A_8, %reduce_max3A [0] : vector<80x20000xf32> to vector<20000xf32>
    %broadcast_in_dim3A = vector.shape_cast %reduce_max3A_9 : vector<20000xf32> to vector<1x20000xf32>
    %iota3A = tpu.iota {dimensions = array<i32: 0>} : vector<80x20000xi32>
    %eq3A = vector.broadcast %broadcast_in_dim3A : vector<1x20000xf32> to vector<80x20000xf32>
    %eq3A_10 = arith.cmpf oeq, %logistic3A_8, %eq3A : vector<80x20000xf32>
    %jit3A = arith.constant 80 : i32
    %broadcast_in_dim3A_11 = vector.broadcast %jit3A : i32 to vector<80x20000xi32>
    %select_n3A = arith.select %eq3A_10, %iota3A, %broadcast_in_dim3A_11 : vector<80x20000xi1>, vector<80x20000xi32>
    %reduce_min3A = arith.constant dense<2147483647> : vector<20000xi32>
    %reduce_min3A_12 = vector.multi_reduction <minsi>, %select_n3A, %reduce_min3A [0] : vector<80x20000xi32> to vector<20000xi32>
    %broadcast_in_dim3A_13 = vector.shape_cast %reduce_min3A_12 : vector<20000xi32> to vector<1x20000xi32>
    %get3A_14 = arith.constant 0 : index
    %get3A_15 = arith.constant 0 : index
    %get3A_16 = arith.constant 0 : index
    %get3A_17 = vector.load %arg2[%get3A_14, %get3A_15, %get3A_16] : memref<1x1x20000xf32, #tpu.memory_space<vmem>>, vector<1x1x20000xf32>
    %get3A_18 = vector.shape_cast %get3A_17 : vector<1x1x20000xf32> to vector<1x20000xf32>
    %logistic3A_19 = arith.negf %get3A_18 : vector<1x20000xf32>
    %logistic3A_20 = math.exp %logistic3A_19 : vector<1x20000xf32>
    %logistic3A_21 = arith.constant 1.000000e+00 : f32
    %logistic3A_22 = vector.broadcast %logistic3A_21 : f32 to vector<1x20000xf32>
    %logistic3A_23 = arith.addf %logistic3A_22, %logistic3A_20 : vector<1x20000xf32>
    %logistic3A_24 = arith.divf %logistic3A_22, %logistic3A_23 : vector<1x20000xf32>
    %mul3A = arith.mulf %broadcast_in_dim3A, %logistic3A_24 : vector<1x20000xf32>
    %gt3A = arith.constant 5.000000e-02 : f32
    %gt3A_25 = vector.broadcast %gt3A : f32 to vector<1x20000xf32>
    %gt3A_26 = arith.cmpf ogt, %broadcast_in_dim3A, %gt3A_25 : vector<1x20000xf32>
    %jit3A_27 = arith.constant -1.000000e+00 : f32
    %broadcast_in_dim3A_28 = vector.broadcast %jit3A_27 : f32 to vector<1x20000xf32>
    %select_n3A_29 = arith.select %gt3A_26, %mul3A, %broadcast_in_dim3A_28 : vector<1x20000xi1>, vector<1x20000xf32>
    %swap3A = arith.constant 0 : index
    %swap3A_30 = arith.constant 0 : index
    %swap3A_31 = arith.constant 0 : index
    %swap3A_32 = vector.load %arg4[%swap3A, %swap3A_30, %swap3A_31] : memref<1x1x20000xf32, #tpu.memory_space<vmem>>, vector<1x1x20000xf32>
    %swap3A_33 = vector.shape_cast %swap3A_32 : vector<1x1x20000xf32> to vector<1x20000xf32>
    %swap3A_34 = vector.shape_cast %select_n3A_29 : vector<1x20000xf32> to vector<1x1x20000xf32>
    tpu.vector_store %arg4[%swap3A, %swap3A_30, %swap3A_31], %swap3A_34 {strides = array<i32>} : memref<1x1x20000xf32, #tpu.memory_space<vmem>>, vector<1x1x20000xf32>,
    %add3A = arith.constant 1 : i32
    %add3A_35 = vector.broadcast %add3A : i32 to vector<1x20000xi32>
    %add3A_36 = arith.addi %broadcast_in_dim3A_13, %add3A_35 : vector<1x20000xi32>
    %swap3A_37 = arith.constant 0 : index
    %swap3A_38 = arith.constant 0 : index
    %swap3A_39 = arith.constant 0 : index
    %swap3A_40 = vector.load %arg5[%swap3A_37, %swap3A_38, %swap3A_39] : memref<1x1x20000xi32, #tpu.memory_space<vmem>>, vector<1x1x20000xi32>
    %swap3A_41 = vector.shape_cast %swap3A_40 : vector<1x1x20000xi32> to vector<1x20000xi32>
    %swap3A_42 = vector.shape_cast %add3A_36 : vector<1x20000xi32> to vector<1x1x20000xi32>
    tpu.vector_store %arg5[%swap3A_37, %swap3A_38, %swap3A_39], %swap3A_42 {strides = array<i32>} : memref<1x1x20000xi32, #tpu.memory_space<vmem>>, vector<1x1x20000xi32>,
    %get3A_43 = arith.constant 0 : index
    %get3A_44 = arith.constant 0 : index
    %get3A_45 = arith.constant 0 : index
    %get3A_46 = vector.load %arg3[%get3A_43, %get3A_44, %get3A_45] : memref<1x1x20000xf32, #tpu.memory_space<vmem>>, vector<1x1x20000xf32>
    %get3A_47 = vector.shape_cast %get3A_46 : vector<1x1x20000xf32> to vector<1x20000xf32>
    %round3A = math.roundeven %get3A_47 : vector<1x20000xf32>
    %convert_element_type3A = arith.fptosi %round3A : vector<1x20000xf32> to vector<1x20000xi32>
    %swap3A_48 = arith.constant 0 : index
    %swap3A_49 = arith.constant 0 : index
    %swap3A_50 = arith.constant 0 : index
    %swap3A_51 = vector.load %arg6[%swap3A_48, %swap3A_49, %swap3A_50] : memref<1x1x20000xi32, #tpu.memory_space<vmem>>, vector<1x1x20000xi32>
    %swap3A_52 = vector.shape_cast %swap3A_51 : vector<1x1x20000xi32> to vector<1x20000xi32>
    %swap3A_53 = vector.shape_cast %convert_element_type3A : vector<1x20000xi32> to vector<1x1x20000xi32>
    tpu.vector_store %arg6[%swap3A_48, %swap3A_49, %swap3A_50], %swap3A_53 {strides = array<i32>} : memref<1x1x20000xi32, #tpu.memory_space<vmem>>, vector<1x1x20000xi32>,
    return
  }
  func.func @transform_0(%arg0: i32) -> (i32, i32, i32) {
    %c0_i32 = arith.constant 0 : i32
    %c0_i32_0 = arith.constant 0 : i32
    %c0_i32_1 = arith.constant 0 : i32
    return %arg0, %c0_i32, %c0_i32_0 : i32, i32, i32
  }
  func.func @transform_1(%arg0: i32) -> (i32, i32, i32) {
    %c0_i32 = arith.constant 0 : i32
    %c0_i32_0 = arith.constant 0 : i32
    %c0_i32_1 = arith.constant 0 : i32
    return %arg0, %c0_i32, %c0_i32_0 : i32, i32, i32
  }
  func.func @transform_2(%arg0: i32) -> (i32, i32, i32) {
    %c0_i32 = arith.constant 0 : i32
    %c0_i32_0 = arith.constant 0 : i32
    %c0_i32_1 = arith.constant 0 : i32
    return %arg0, %c0_i32, %c0_i32_0 : i32, i32, i32
  }
  func.func @transform_3(%arg0: i32) -> (i32, i32, i32) {
    %c0_i32 = arith.constant 0 : i32
    %c0_i32_0 = arith.constant 0 : i32
    %c0_i32_1 = arith.constant 0 : i32
    return %arg0, %c0_i32, %c0_i32_0 : i32, i32, i32
  }
  func.func @transform_4(%arg0: i32) -> (i32, i32, i32) {
    %c0_i32 = arith.constant 0 : i32
    %c0_i32_0 = arith.constant 0 : i32
    %c0_i32_1 = arith.constant 0 : i32
    return %arg0, %c0_i32, %c0_i32_0 : i32, i32, i32
  }
  func.func @transform_5(%arg0: i32) -> (i32, i32, i32) {
    %c0_i32 = arith.constant 0 : i32
    %c0_i32_0 = arith.constant 0 : i32
    %c0_i32_1 = arith.constant 0 : i32
    return %arg0, %c0_i32, %c0_i32_0 : i32, i32, i32
  }
}

module attributes {stable_mosaic.version = 14 : i64} {
  func.func @_nms_body(%arg0: memref<2x8x128xf32, #tpu.memory_space<vmem>>, %arg1: memref<2x8x128xf32, #tpu.memory_space<vmem>>, %arg2: memref<2x8x128xf32, #tpu.memory_space<vmem>>, %arg3: memref<2x8x128xf32, #tpu.memory_space<vmem>>, %arg4: memref<2x8x128xf32, #tpu.memory_space<vmem>>, %arg5: memref<2x8x128xf32, #tpu.memory_space<vmem>>, %arg6: memref<2x8x128xf32, #tpu.memory_space<vmem>>, %arg7: memref<2x8x128xf32, #tpu.memory_space<vmem>>, %arg8: memref<2x8x128xf32, #tpu.memory_space<vmem>>, %arg9: memref<2x8x128xf32, #tpu.memory_space<vmem>>, %arg10: memref<2x8x128xf32, #tpu.memory_space<vmem>>, %arg11: memref<2x8x128xf32, #tpu.memory_space<vmem>>, %arg12: memref<2x8x128xf32, #tpu.memory_space<vmem>>, %arg13: memref<2x8x128xf32, #tpu.memory_space<vmem>>, %arg14: memref<2x8x128xf32, #tpu.memory_space<vmem>>, %arg15: memref<2x8x128xf32, #tpu.memory_space<vmem>>) attributes {dimension_semantics = [], scalar_prefetch = 0 : i64, scratch_operands = 0 : i64, tpu.core_type = #tpu.core_type<tc>} {
    %get3A = arith.constant 0 : index
    %get3A_0 = arith.constant 0 : index
    %get3A_1 = arith.constant 0 : index
    %get3A_2 = vector.load %arg0[%get3A, %get3A_0, %get3A_1] : memref<2x8x128xf32, #tpu.memory_space<vmem>>, vector<1x8x128xf32>
    %get3A_3 = vector.shape_cast %get3A_2 : vector<1x8x128xf32> to vector<8x128xf32>
    %get3A_4 = arith.constant 0 : index
    %get3A_5 = arith.constant 0 : index
    %get3A_6 = arith.constant 0 : index
    %get3A_7 = vector.load %arg1[%get3A_4, %get3A_5, %get3A_6] : memref<2x8x128xf32, #tpu.memory_space<vmem>>, vector<1x8x128xf32>
    %get3A_8 = vector.shape_cast %get3A_7 : vector<1x8x128xf32> to vector<8x128xf32>
    %get3A_9 = arith.constant 0 : index
    %get3A_10 = arith.constant 0 : index
    %get3A_11 = arith.constant 0 : index
    %get3A_12 = vector.load %arg2[%get3A_9, %get3A_10, %get3A_11] : memref<2x8x128xf32, #tpu.memory_space<vmem>>, vector<1x8x128xf32>
    %get3A_13 = vector.shape_cast %get3A_12 : vector<1x8x128xf32> to vector<8x128xf32>
    %get3A_14 = arith.constant 0 : index
    %get3A_15 = arith.constant 0 : index
    %get3A_16 = arith.constant 0 : index
    %get3A_17 = vector.load %arg9[%get3A_14, %get3A_15, %get3A_16] : memref<2x8x128xf32, #tpu.memory_space<vmem>>, vector<1x8x128xf32>
    %get3A_18 = vector.shape_cast %get3A_17 : vector<1x8x128xf32> to vector<8x128xf32>
    %get3A_19 = arith.constant 0 : index
    %get3A_20 = arith.constant 0 : index
    %get3A_21 = arith.constant 0 : index
    %get3A_22 = vector.load %arg10[%get3A_19, %get3A_20, %get3A_21] : memref<2x8x128xf32, #tpu.memory_space<vmem>>, vector<1x8x128xf32>
    %get3A_23 = vector.shape_cast %get3A_22 : vector<1x8x128xf32> to vector<8x128xf32>
    %get3A_24 = arith.constant 0 : index
    %get3A_25 = arith.constant 0 : index
    %get3A_26 = arith.constant 0 : index
    %get3A_27 = vector.load %arg3[%get3A_24, %get3A_25, %get3A_26] : memref<2x8x128xf32, #tpu.memory_space<vmem>>, vector<1x8x128xf32>
    %get3A_28 = vector.shape_cast %get3A_27 : vector<1x8x128xf32> to vector<8x128xf32>
    %sub3A = arith.subf %get3A_8, %get3A_28 : vector<8x128xf32>
    %max3A = arith.constant 0.000000e+00 : f32
    %max3A_29 = vector.broadcast %max3A : f32 to vector<8x128xf32>
    %max3A_30 = arith.maximumf %sub3A, %max3A_29 : vector<8x128xf32>
    %min3A = arith.minimumf %max3A_30, %get3A_18 : vector<8x128xf32>
    %get3A_31 = arith.constant 0 : index
    %get3A_32 = arith.constant 0 : index
    %get3A_33 = arith.constant 0 : index
    %get3A_34 = vector.load %arg4[%get3A_31, %get3A_32, %get3A_33] : memref<2x8x128xf32, #tpu.memory_space<vmem>>, vector<1x8x128xf32>
    %get3A_35 = vector.shape_cast %get3A_34 : vector<1x8x128xf32> to vector<8x128xf32>
    %sub3A_36 = arith.subf %get3A_13, %get3A_35 : vector<8x128xf32>
    %max3A_37 = arith.constant 0.000000e+00 : f32
    %max3A_38 = vector.broadcast %max3A_37 : f32 to vector<8x128xf32>
    %max3A_39 = arith.maximumf %sub3A_36, %max3A_38 : vector<8x128xf32>
    %min3A_40 = arith.minimumf %max3A_39, %get3A_23 : vector<8x128xf32>
    %get3A_41 = arith.constant 0 : index
    %get3A_42 = arith.constant 0 : index
    %get3A_43 = arith.constant 0 : index
    %get3A_44 = vector.load %arg5[%get3A_41, %get3A_42, %get3A_43] : memref<2x8x128xf32, #tpu.memory_space<vmem>>, vector<1x8x128xf32>
    %get3A_45 = vector.shape_cast %get3A_44 : vector<1x8x128xf32> to vector<8x128xf32>
    %add3A = arith.addf %get3A_8, %get3A_45 : vector<8x128xf32>
    %max3A_46 = arith.constant 0.000000e+00 : f32
    %max3A_47 = vector.broadcast %max3A_46 : f32 to vector<8x128xf32>
    %max3A_48 = arith.maximumf %add3A, %max3A_47 : vector<8x128xf32>
    %min3A_49 = arith.minimumf %max3A_48, %get3A_18 : vector<8x128xf32>
    %get3A_50 = arith.constant 0 : index
    %get3A_51 = arith.constant 0 : index
    %get3A_52 = arith.constant 0 : index
    %get3A_53 = vector.load %arg6[%get3A_50, %get3A_51, %get3A_52] : memref<2x8x128xf32, #tpu.memory_space<vmem>>, vector<1x8x128xf32>
    %get3A_54 = vector.shape_cast %get3A_53 : vector<1x8x128xf32> to vector<8x128xf32>
    %add3A_55 = arith.addf %get3A_13, %get3A_54 : vector<8x128xf32>
    %max3A_56 = arith.constant 0.000000e+00 : f32
    %max3A_57 = vector.broadcast %max3A_56 : f32 to vector<8x128xf32>
    %max3A_58 = arith.maximumf %add3A_55, %max3A_57 : vector<8x128xf32>
    %min3A_59 = arith.minimumf %max3A_58, %get3A_23 : vector<8x128xf32>
    %sub3A_60 = arith.subf %min3A_49, %min3A : vector<8x128xf32>
    %add3A_61 = arith.constant 1.000000e+00 : f32
    %add3A_62 = vector.broadcast %add3A_61 : f32 to vector<8x128xf32>
    %add3A_63 = arith.addf %sub3A_60, %add3A_62 : vector<8x128xf32>
    %sub3A_64 = arith.subf %min3A_59, %min3A_40 : vector<8x128xf32>
    %add3A_65 = arith.constant 1.000000e+00 : f32
    %add3A_66 = vector.broadcast %add3A_65 : f32 to vector<8x128xf32>
    %add3A_67 = arith.addf %sub3A_64, %add3A_66 : vector<8x128xf32>
    %gt3A = arith.constant 0.000000e+00 : f32
    %gt3A_68 = vector.broadcast %gt3A : f32 to vector<8x128xf32>
    %gt3A_69 = arith.cmpf ogt, %get3A_3, %gt3A_68 : vector<8x128xf32>
    %ge3A = arith.constant 0.000000e+00 : f32
    %ge3A_70 = vector.broadcast %ge3A : f32 to vector<8x128xf32>
    %ge3A_71 = arith.cmpf oge, %add3A_63, %ge3A_70 : vector<8x128xf32>
    %and3A = arith.andi %gt3A_69, %ge3A_71 : vector<8x128xi1>
    %ge3A_72 = arith.constant 0.000000e+00 : f32
    %ge3A_73 = vector.broadcast %ge3A_72 : f32 to vector<8x128xf32>
    %ge3A_74 = arith.cmpf oge, %add3A_67, %ge3A_73 : vector<8x128xf32>
    %and3A_75 = arith.andi %and3A, %ge3A_74 : vector<8x128xi1>
    %jit3A = arith.constant 1.000000e+00 : f32
    %jit3A_76 = arith.constant 0.000000e+00 : f32
    %broadcast_in_dim3A = vector.broadcast %jit3A : f32 to vector<8x128xf32>
    %broadcast_in_dim3A_77 = vector.broadcast %jit3A_76 : f32 to vector<8x128xf32>
    %select_n3A = arith.select %and3A_75, %broadcast_in_dim3A, %broadcast_in_dim3A_77 : vector<8x128xi1>, vector<8x128xf32>
    %get3A_78 = arith.constant 0 : index
    %get3A_79 = arith.constant 0 : index
    %get3A_80 = arith.constant 0 : index
    %get3A_81 = vector.load %arg7[%get3A_78, %get3A_79, %get3A_80] : memref<2x8x128xf32, #tpu.memory_space<vmem>>, vector<1x8x128xf32>
    %get3A_82 = vector.shape_cast %get3A_81 : vector<1x8x128xf32> to vector<8x128xf32>
    %mul3A = arith.constant 1.000000e+05 : f32
    %mul3A_83 = vector.broadcast %mul3A : f32 to vector<8x128xf32>
    %mul3A_84 = arith.mulf %get3A_82, %mul3A_83 : vector<8x128xf32>
    %get3A_85 = arith.constant 0 : index
    %get3A_86 = arith.constant 0 : index
    %get3A_87 = arith.constant 0 : index
    %get3A_88 = vector.load %arg8[%get3A_85, %get3A_86, %get3A_87] : memref<2x8x128xf32, #tpu.memory_space<vmem>>, vector<1x8x128xf32>
    %get3A_89 = vector.shape_cast %get3A_88 : vector<1x8x128xf32> to vector<8x128xf32>
    %mul3A_90 = arith.constant 1.000000e+04 : f32
    %mul3A_91 = vector.broadcast %mul3A_90 : f32 to vector<8x128xf32>
    %mul3A_92 = arith.mulf %get3A_89, %mul3A_91 : vector<8x128xf32>
    %add3A_93 = arith.addf %mul3A_84, %mul3A_92 : vector<8x128xf32>
    %add3A_94 = arith.addf %min3A, %add3A_93 : vector<8x128xf32>
    %add3A_95 = arith.addf %min3A_40, %add3A_93 : vector<8x128xf32>
    %add3A_96 = arith.addf %min3A_49, %add3A_93 : vector<8x128xf32>
    %add3A_97 = arith.addf %min3A_59, %add3A_93 : vector<8x128xf32>
    %sub3A_98 = arith.subf %add3A_96, %add3A_94 : vector<8x128xf32>
    %add3A_99 = arith.constant 1.000000e+00 : f32
    %add3A_100 = vector.broadcast %add3A_99 : f32 to vector<8x128xf32>
    %add3A_101 = arith.addf %sub3A_98, %add3A_100 : vector<8x128xf32>
    %sub3A_102 = arith.subf %add3A_97, %add3A_95 : vector<8x128xf32>
    %add3A_103 = arith.constant 1.000000e+00 : f32
    %add3A_104 = vector.broadcast %add3A_103 : f32 to vector<8x128xf32>
    %add3A_105 = arith.addf %sub3A_102, %add3A_104 : vector<8x128xf32>
    %mul3A_106 = arith.mulf %add3A_101, %add3A_105 : vector<8x128xf32>
    %iota3A = tpu.iota {dimensions = array<i32: 0>} : vector<8x128xi32>
    %iota3A_107 = tpu.iota {dimensions = array<i32: 1>} : vector<8x128xi32>
    %mul3A_108 = arith.constant 128 : i32
    %mul3A_109 = vector.broadcast %mul3A_108 : i32 to vector<8x128xi32>
    %mul3A_110 = arith.muli %iota3A, %mul3A_109 : vector<8x128xi32>
    %add3A_111 = arith.addi %mul3A_110, %iota3A_107 : vector<8x128xi32>
    %scan3A = arith.constant -3.000000e+38 : f32
    %scan3A_112 = arith.constant 0 : i32
    %scan3A_113 = arith.constant 1000 : i32
    %scan3A_114 = arith.addi %scan3A_112, %scan3A_113 : i32
    %scan3A_115 = arith.constant 1 : i32
    %scan3A_116 = scf.for %scan3A_321 = %scan3A_112 to %scan3A_114 step %scan3A_115 iter_args(%scan3A_322 = %select_n3A) -> (vector<8x128xf32>)  : i32 {
      %eq3A = vector.broadcast %scan3A_321 : i32 to vector<8x128xi32>
      %eq3A_323 = arith.cmpi eq, %add3A_111, %eq3A : vector<8x128xi32>
      %broadcast_in_dim3A_324 = vector.broadcast %scan3A : f32 to vector<8x128xf32>
      %select_n3A_325 = arith.select %eq3A_323, %add3A_94, %broadcast_in_dim3A_324 : vector<8x128xi1>, vector<8x128xf32>
      %reduce_max3A = vector.shape_cast %select_n3A_325 : vector<8x128xf32> to vector<1x8x128xf32>
      %reduce_max3A_326 = arith.constant dense<0xFF800000> : vector<1xf32>
      %reduce_max3A_327 = vector.multi_reduction <maximumf>, %reduce_max3A, %reduce_max3A_326 [1, 2] : vector<1x8x128xf32> to vector<1xf32>
      %reduce_max3A_328 = vector.shape_cast %reduce_max3A_327 : vector<1xf32> to vector<1x1x1xf32>
      %reduce_max3A_329 = vector.extract %reduce_max3A_328[0, 0, 0] : f32 from vector<1x1x1xf32>
      %broadcast_in_dim3A_330 = vector.broadcast %scan3A : f32 to vector<8x128xf32>
      %select_n3A_331 = arith.select %eq3A_323, %add3A_95, %broadcast_in_dim3A_330 : vector<8x128xi1>, vector<8x128xf32>
      %reduce_max3A_332 = vector.shape_cast %select_n3A_331 : vector<8x128xf32> to vector<1x8x128xf32>
      %reduce_max3A_333 = arith.constant dense<0xFF800000> : vector<1xf32>
      %reduce_max3A_334 = vector.multi_reduction <maximumf>, %reduce_max3A_332, %reduce_max3A_333 [1, 2] : vector<1x8x128xf32> to vector<1xf32>
      %reduce_max3A_335 = vector.shape_cast %reduce_max3A_334 : vector<1xf32> to vector<1x1x1xf32>
      %reduce_max3A_336 = vector.extract %reduce_max3A_335[0, 0, 0] : f32 from vector<1x1x1xf32>
      %broadcast_in_dim3A_337 = vector.broadcast %scan3A : f32 to vector<8x128xf32>
      %select_n3A_338 = arith.select %eq3A_323, %add3A_96, %broadcast_in_dim3A_337 : vector<8x128xi1>, vector<8x128xf32>
      %reduce_max3A_339 = vector.shape_cast %select_n3A_338 : vector<8x128xf32> to vector<1x8x128xf32>
      %reduce_max3A_340 = arith.constant dense<0xFF800000> : vector<1xf32>
      %reduce_max3A_341 = vector.multi_reduction <maximumf>, %reduce_max3A_339, %reduce_max3A_340 [1, 2] : vector<1x8x128xf32> to vector<1xf32>
      %reduce_max3A_342 = vector.shape_cast %reduce_max3A_341 : vector<1xf32> to vector<1x1x1xf32>
      %reduce_max3A_343 = vector.extract %reduce_max3A_342[0, 0, 0] : f32 from vector<1x1x1xf32>
      %broadcast_in_dim3A_344 = vector.broadcast %scan3A : f32 to vector<8x128xf32>
      %select_n3A_345 = arith.select %eq3A_323, %add3A_97, %broadcast_in_dim3A_344 : vector<8x128xi1>, vector<8x128xf32>
      %reduce_max3A_346 = vector.shape_cast %select_n3A_345 : vector<8x128xf32> to vector<1x8x128xf32>
      %reduce_max3A_347 = arith.constant dense<0xFF800000> : vector<1xf32>
      %reduce_max3A_348 = vector.multi_reduction <maximumf>, %reduce_max3A_346, %reduce_max3A_347 [1, 2] : vector<1x8x128xf32> to vector<1xf32>
      %reduce_max3A_349 = vector.shape_cast %reduce_max3A_348 : vector<1xf32> to vector<1x1x1xf32>
      %reduce_max3A_350 = vector.extract %reduce_max3A_349[0, 0, 0] : f32 from vector<1x1x1xf32>
      %jit3A_351 = arith.constant 0.000000e+00 : f32
      %broadcast_in_dim3A_352 = vector.broadcast %jit3A_351 : f32 to vector<8x128xf32>
      %select_n3A_353 = arith.select %eq3A_323, %scan3A_322, %broadcast_in_dim3A_352 : vector<8x128xi1>, vector<8x128xf32>
      %reduce_max3A_354 = vector.shape_cast %select_n3A_353 : vector<8x128xf32> to vector<1x8x128xf32>
      %reduce_max3A_355 = arith.constant dense<0xFF800000> : vector<1xf32>
      %reduce_max3A_356 = vector.multi_reduction <maximumf>, %reduce_max3A_354, %reduce_max3A_355 [1, 2] : vector<1x8x128xf32> to vector<1xf32>
      %reduce_max3A_357 = vector.shape_cast %reduce_max3A_356 : vector<1xf32> to vector<1x1x1xf32>
      %reduce_max3A_358 = vector.extract %reduce_max3A_357[0, 0, 0] : f32 from vector<1x1x1xf32>
      %sub3A_359 = arith.subf %reduce_max3A_343, %reduce_max3A_329 : f32
      %add3A_360 = arith.constant 1.000000e+00 : f32
      %add3A_361 = arith.addf %sub3A_359, %add3A_360 : f32
      %sub3A_362 = arith.subf %reduce_max3A_350, %reduce_max3A_336 : f32
      %add3A_363 = arith.constant 1.000000e+00 : f32
      %add3A_364 = arith.addf %sub3A_362, %add3A_363 : f32
      %mul3A_365 = arith.mulf %add3A_361, %add3A_364 : f32
      %min3A_366 = vector.broadcast %reduce_max3A_343 : f32 to vector<8x128xf32>
      %min3A_367 = arith.minimumf %min3A_366, %add3A_96 : vector<8x128xf32>
      %max3A_368 = vector.broadcast %reduce_max3A_329 : f32 to vector<8x128xf32>
      %max3A_369 = arith.maximumf %max3A_368, %add3A_94 : vector<8x128xf32>
      %sub3A_370 = arith.subf %min3A_367, %max3A_369 : vector<8x128xf32>
      %add3A_371 = arith.constant 1.000000e+00 : f32
      %add3A_372 = vector.broadcast %add3A_371 : f32 to vector<8x128xf32>
      %add3A_373 = arith.addf %sub3A_370, %add3A_372 : vector<8x128xf32>
      %max3A_374 = arith.constant 0.000000e+00 : f32
      %max3A_375 = vector.broadcast %max3A_374 : f32 to vector<8x128xf32>
      %max3A_376 = arith.maximumf %add3A_373, %max3A_375 : vector<8x128xf32>
      %min3A_377 = vector.broadcast %reduce_max3A_350 : f32 to vector<8x128xf32>
      %min3A_378 = arith.minimumf %min3A_377, %add3A_97 : vector<8x128xf32>
      %max3A_379 = vector.broadcast %reduce_max3A_336 : f32 to vector<8x128xf32>
      %max3A_380 = arith.maximumf %max3A_379, %add3A_95 : vector<8x128xf32>
      %sub3A_381 = arith.subf %min3A_378, %max3A_380 : vector<8x128xf32>
      %add3A_382 = arith.constant 1.000000e+00 : f32
      %add3A_383 = vector.broadcast %add3A_382 : f32 to vector<8x128xf32>
      %add3A_384 = arith.addf %sub3A_381, %add3A_383 : vector<8x128xf32>
      %max3A_385 = arith.constant 0.000000e+00 : f32
      %max3A_386 = vector.broadcast %max3A_385 : f32 to vector<8x128xf32>
      %max3A_387 = arith.maximumf %add3A_384, %max3A_386 : vector<8x128xf32>
      %mul3A_388 = arith.mulf %max3A_376, %max3A_387 : vector<8x128xf32>
      %add3A_389 = vector.broadcast %mul3A_365 : f32 to vector<8x128xf32>
      %add3A_390 = arith.addf %add3A_389, %mul3A_106 : vector<8x128xf32>
      %sub3A_391 = arith.subf %add3A_390, %mul3A_388 : vector<8x128xf32>
      %div3A = arith.divf %mul3A_388, %sub3A_391 : vector<8x128xf32>
      %gt3A_392 = arith.constant 5.000000e-01 : f32
      %gt3A_393 = vector.broadcast %gt3A_392 : f32 to vector<8x128xf32>
      %gt3A_394 = arith.cmpf ogt, %div3A, %gt3A_393 : vector<8x128xf32>
      %gt3A_395 = vector.broadcast %scan3A_321 : i32 to vector<8x128xi32>
      %gt3A_396 = arith.cmpi sgt, %add3A_111, %gt3A_395 : vector<8x128xi32>
      %and3A_397 = arith.andi %gt3A_394, %gt3A_396 : vector<8x128xi1>
      %jit3A_398 = arith.constant 1.000000e+00 : f32
      %jit3A_399 = arith.constant 0.000000e+00 : f32
      %broadcast_in_dim3A_400 = vector.broadcast %jit3A_398 : f32 to vector<8x128xf32>
      %broadcast_in_dim3A_401 = vector.broadcast %jit3A_399 : f32 to vector<8x128xf32>
      %select_n3A_402 = arith.select %and3A_397, %broadcast_in_dim3A_400, %broadcast_in_dim3A_401 : vector<8x128xi1>, vector<8x128xf32>
      %mul3A_403 = vector.broadcast %reduce_max3A_358 : f32 to vector<8x128xf32>
      %mul3A_404 = arith.mulf %select_n3A_402, %mul3A_403 : vector<8x128xf32>
      %sub3A_405 = arith.constant 1.000000e+00 : f32
      %sub3A_406 = vector.broadcast %sub3A_405 : f32 to vector<8x128xf32>
      %sub3A_407 = arith.subf %sub3A_406, %mul3A_404 : vector<8x128xf32>
      %mul3A_408 = arith.mulf %scan3A_322, %sub3A_407 : vector<8x128xf32>
      scf.yield %mul3A_408 : vector<8x128xf32>
    }
    %scan3A_117 = arith.constant 1000 : i32
    %gt3A_118 = arith.constant 0.000000e+00 : f32
    %gt3A_119 = vector.broadcast %gt3A_118 : f32 to vector<8x128xf32>
    %gt3A_120 = arith.cmpf ogt, %scan3A_116, %gt3A_119 : vector<8x128xf32>
    %jit3A_121 = arith.constant -1.000000e+00 : f32
    %broadcast_in_dim3A_122 = vector.broadcast %jit3A_121 : f32 to vector<8x128xf32>
    %select_n3A_123 = arith.select %gt3A_120, %get3A_3, %broadcast_in_dim3A_122 : vector<8x128xi1>, vector<8x128xf32>
    %swap3A = arith.constant 0 : index
    %swap3A_124 = arith.constant 0 : index
    %swap3A_125 = arith.constant 0 : index
    %swap3A_126 = vector.load %arg11[%swap3A, %swap3A_124, %swap3A_125] : memref<2x8x128xf32, #tpu.memory_space<vmem>>, vector<1x8x128xf32>
    %swap3A_127 = vector.shape_cast %swap3A_126 : vector<1x8x128xf32> to vector<8x128xf32>
    %swap3A_128 = vector.shape_cast %select_n3A_123 : vector<8x128xf32> to vector<1x8x128xf32>
    tpu.vector_store %arg11[%swap3A, %swap3A_124, %swap3A_125], %swap3A_128 {strides = array<i32>} : memref<2x8x128xf32, #tpu.memory_space<vmem>>, vector<1x8x128xf32>,
    %swap3A_129 = arith.constant 0 : index
    %swap3A_130 = arith.constant 0 : index
    %swap3A_131 = arith.constant 0 : index
    %swap3A_132 = vector.load %arg12[%swap3A_129, %swap3A_130, %swap3A_131] : memref<2x8x128xf32, #tpu.memory_space<vmem>>, vector<1x8x128xf32>
    %swap3A_133 = vector.shape_cast %swap3A_132 : vector<1x8x128xf32> to vector<8x128xf32>
    %swap3A_134 = vector.shape_cast %min3A : vector<8x128xf32> to vector<1x8x128xf32>
    tpu.vector_store %arg12[%swap3A_129, %swap3A_130, %swap3A_131], %swap3A_134 {strides = array<i32>} : memref<2x8x128xf32, #tpu.memory_space<vmem>>, vector<1x8x128xf32>,
    %swap3A_135 = arith.constant 0 : index
    %swap3A_136 = arith.constant 0 : index
    %swap3A_137 = arith.constant 0 : index
    %swap3A_138 = vector.load %arg13[%swap3A_135, %swap3A_136, %swap3A_137] : memref<2x8x128xf32, #tpu.memory_space<vmem>>, vector<1x8x128xf32>
    %swap3A_139 = vector.shape_cast %swap3A_138 : vector<1x8x128xf32> to vector<8x128xf32>
    %swap3A_140 = vector.shape_cast %min3A_40 : vector<8x128xf32> to vector<1x8x128xf32>
    tpu.vector_store %arg13[%swap3A_135, %swap3A_136, %swap3A_137], %swap3A_140 {strides = array<i32>} : memref<2x8x128xf32, #tpu.memory_space<vmem>>, vector<1x8x128xf32>,
    %swap3A_141 = arith.constant 0 : index
    %swap3A_142 = arith.constant 0 : index
    %swap3A_143 = arith.constant 0 : index
    %swap3A_144 = vector.load %arg14[%swap3A_141, %swap3A_142, %swap3A_143] : memref<2x8x128xf32, #tpu.memory_space<vmem>>, vector<1x8x128xf32>
    %swap3A_145 = vector.shape_cast %swap3A_144 : vector<1x8x128xf32> to vector<8x128xf32>
    %swap3A_146 = vector.shape_cast %min3A_49 : vector<8x128xf32> to vector<1x8x128xf32>
    tpu.vector_store %arg14[%swap3A_141, %swap3A_142, %swap3A_143], %swap3A_146 {strides = array<i32>} : memref<2x8x128xf32, #tpu.memory_space<vmem>>, vector<1x8x128xf32>,
    %swap3A_147 = arith.constant 0 : index
    %swap3A_148 = arith.constant 0 : index
    %swap3A_149 = arith.constant 0 : index
    %swap3A_150 = vector.load %arg15[%swap3A_147, %swap3A_148, %swap3A_149] : memref<2x8x128xf32, #tpu.memory_space<vmem>>, vector<1x8x128xf32>
    %swap3A_151 = vector.shape_cast %swap3A_150 : vector<1x8x128xf32> to vector<8x128xf32>
    %swap3A_152 = vector.shape_cast %min3A_59 : vector<8x128xf32> to vector<1x8x128xf32>
    tpu.vector_store %arg15[%swap3A_147, %swap3A_148, %swap3A_149], %swap3A_152 {strides = array<i32>} : memref<2x8x128xf32, #tpu.memory_space<vmem>>, vector<1x8x128xf32>,
    %get3A_153 = arith.constant 1 : index
    %get3A_154 = arith.constant 0 : index
    %get3A_155 = arith.constant 0 : index
    %get3A_156 = vector.load %arg0[%get3A_153, %get3A_154, %get3A_155] : memref<2x8x128xf32, #tpu.memory_space<vmem>>, vector<1x8x128xf32>
    %get3A_157 = vector.shape_cast %get3A_156 : vector<1x8x128xf32> to vector<8x128xf32>
    %get3A_158 = arith.constant 1 : index
    %get3A_159 = arith.constant 0 : index
    %get3A_160 = arith.constant 0 : index
    %get3A_161 = vector.load %arg1[%get3A_158, %get3A_159, %get3A_160] : memref<2x8x128xf32, #tpu.memory_space<vmem>>, vector<1x8x128xf32>
    %get3A_162 = vector.shape_cast %get3A_161 : vector<1x8x128xf32> to vector<8x128xf32>
    %get3A_163 = arith.constant 1 : index
    %get3A_164 = arith.constant 0 : index
    %get3A_165 = arith.constant 0 : index
    %get3A_166 = vector.load %arg2[%get3A_163, %get3A_164, %get3A_165] : memref<2x8x128xf32, #tpu.memory_space<vmem>>, vector<1x8x128xf32>
    %get3A_167 = vector.shape_cast %get3A_166 : vector<1x8x128xf32> to vector<8x128xf32>
    %get3A_168 = arith.constant 1 : index
    %get3A_169 = arith.constant 0 : index
    %get3A_170 = arith.constant 0 : index
    %get3A_171 = vector.load %arg9[%get3A_168, %get3A_169, %get3A_170] : memref<2x8x128xf32, #tpu.memory_space<vmem>>, vector<1x8x128xf32>
    %get3A_172 = vector.shape_cast %get3A_171 : vector<1x8x128xf32> to vector<8x128xf32>
    %get3A_173 = arith.constant 1 : index
    %get3A_174 = arith.constant 0 : index
    %get3A_175 = arith.constant 0 : index
    %get3A_176 = vector.load %arg10[%get3A_173, %get3A_174, %get3A_175] : memref<2x8x128xf32, #tpu.memory_space<vmem>>, vector<1x8x128xf32>
    %get3A_177 = vector.shape_cast %get3A_176 : vector<1x8x128xf32> to vector<8x128xf32>
    %get3A_178 = arith.constant 1 : index
    %get3A_179 = arith.constant 0 : index
    %get3A_180 = arith.constant 0 : index
    %get3A_181 = vector.load %arg3[%get3A_178, %get3A_179, %get3A_180] : memref<2x8x128xf32, #tpu.memory_space<vmem>>, vector<1x8x128xf32>
    %get3A_182 = vector.shape_cast %get3A_181 : vector<1x8x128xf32> to vector<8x128xf32>
    %sub3A_183 = arith.subf %get3A_162, %get3A_182 : vector<8x128xf32>
    %max3A_184 = arith.constant 0.000000e+00 : f32
    %max3A_185 = vector.broadcast %max3A_184 : f32 to vector<8x128xf32>
    %max3A_186 = arith.maximumf %sub3A_183, %max3A_185 : vector<8x128xf32>
    %min3A_187 = arith.minimumf %max3A_186, %get3A_172 : vector<8x128xf32>
    %get3A_188 = arith.constant 1 : index
    %get3A_189 = arith.constant 0 : index
    %get3A_190 = arith.constant 0 : index
    %get3A_191 = vector.load %arg4[%get3A_188, %get3A_189, %get3A_190] : memref<2x8x128xf32, #tpu.memory_space<vmem>>, vector<1x8x128xf32>
    %get3A_192 = vector.shape_cast %get3A_191 : vector<1x8x128xf32> to vector<8x128xf32>
    %sub3A_193 = arith.subf %get3A_167, %get3A_192 : vector<8x128xf32>
    %max3A_194 = arith.constant 0.000000e+00 : f32
    %max3A_195 = vector.broadcast %max3A_194 : f32 to vector<8x128xf32>
    %max3A_196 = arith.maximumf %sub3A_193, %max3A_195 : vector<8x128xf32>
    %min3A_197 = arith.minimumf %max3A_196, %get3A_177 : vector<8x128xf32>
    %get3A_198 = arith.constant 1 : index
    %get3A_199 = arith.constant 0 : index
    %get3A_200 = arith.constant 0 : index
    %get3A_201 = vector.load %arg5[%get3A_198, %get3A_199, %get3A_200] : memref<2x8x128xf32, #tpu.memory_space<vmem>>, vector<1x8x128xf32>
    %get3A_202 = vector.shape_cast %get3A_201 : vector<1x8x128xf32> to vector<8x128xf32>
    %add3A_203 = arith.addf %get3A_162, %get3A_202 : vector<8x128xf32>
    %max3A_204 = arith.constant 0.000000e+00 : f32
    %max3A_205 = vector.broadcast %max3A_204 : f32 to vector<8x128xf32>
    %max3A_206 = arith.maximumf %add3A_203, %max3A_205 : vector<8x128xf32>
    %min3A_207 = arith.minimumf %max3A_206, %get3A_172 : vector<8x128xf32>
    %get3A_208 = arith.constant 1 : index
    %get3A_209 = arith.constant 0 : index
    %get3A_210 = arith.constant 0 : index
    %get3A_211 = vector.load %arg6[%get3A_208, %get3A_209, %get3A_210] : memref<2x8x128xf32, #tpu.memory_space<vmem>>, vector<1x8x128xf32>
    %get3A_212 = vector.shape_cast %get3A_211 : vector<1x8x128xf32> to vector<8x128xf32>
    %add3A_213 = arith.addf %get3A_167, %get3A_212 : vector<8x128xf32>
    %max3A_214 = arith.constant 0.000000e+00 : f32
    %max3A_215 = vector.broadcast %max3A_214 : f32 to vector<8x128xf32>
    %max3A_216 = arith.maximumf %add3A_213, %max3A_215 : vector<8x128xf32>
    %min3A_217 = arith.minimumf %max3A_216, %get3A_177 : vector<8x128xf32>
    %sub3A_218 = arith.subf %min3A_207, %min3A_187 : vector<8x128xf32>
    %add3A_219 = arith.constant 1.000000e+00 : f32
    %add3A_220 = vector.broadcast %add3A_219 : f32 to vector<8x128xf32>
    %add3A_221 = arith.addf %sub3A_218, %add3A_220 : vector<8x128xf32>
    %sub3A_222 = arith.subf %min3A_217, %min3A_197 : vector<8x128xf32>
    %add3A_223 = arith.constant 1.000000e+00 : f32
    %add3A_224 = vector.broadcast %add3A_223 : f32 to vector<8x128xf32>
    %add3A_225 = arith.addf %sub3A_222, %add3A_224 : vector<8x128xf32>
    %gt3A_226 = arith.constant 0.000000e+00 : f32
    %gt3A_227 = vector.broadcast %gt3A_226 : f32 to vector<8x128xf32>
    %gt3A_228 = arith.cmpf ogt, %get3A_157, %gt3A_227 : vector<8x128xf32>
    %ge3A_229 = arith.constant 0.000000e+00 : f32
    %ge3A_230 = vector.broadcast %ge3A_229 : f32 to vector<8x128xf32>
    %ge3A_231 = arith.cmpf oge, %add3A_221, %ge3A_230 : vector<8x128xf32>
    %and3A_232 = arith.andi %gt3A_228, %ge3A_231 : vector<8x128xi1>
    %ge3A_233 = arith.constant 0.000000e+00 : f32
    %ge3A_234 = vector.broadcast %ge3A_233 : f32 to vector<8x128xf32>
    %ge3A_235 = arith.cmpf oge, %add3A_225, %ge3A_234 : vector<8x128xf32>
    %and3A_236 = arith.andi %and3A_232, %ge3A_235 : vector<8x128xi1>
    %jit3A_237 = arith.constant 1.000000e+00 : f32
    %jit3A_238 = arith.constant 0.000000e+00 : f32
    %broadcast_in_dim3A_239 = vector.broadcast %jit3A_237 : f32 to vector<8x128xf32>
    %broadcast_in_dim3A_240 = vector.broadcast %jit3A_238 : f32 to vector<8x128xf32>
    %select_n3A_241 = arith.select %and3A_236, %broadcast_in_dim3A_239, %broadcast_in_dim3A_240 : vector<8x128xi1>, vector<8x128xf32>
    %get3A_242 = arith.constant 1 : index
    %get3A_243 = arith.constant 0 : index
    %get3A_244 = arith.constant 0 : index
    %get3A_245 = vector.load %arg7[%get3A_242, %get3A_243, %get3A_244] : memref<2x8x128xf32, #tpu.memory_space<vmem>>, vector<1x8x128xf32>
    %get3A_246 = vector.shape_cast %get3A_245 : vector<1x8x128xf32> to vector<8x128xf32>
    %mul3A_247 = arith.constant 1.000000e+05 : f32
    %mul3A_248 = vector.broadcast %mul3A_247 : f32 to vector<8x128xf32>
    %mul3A_249 = arith.mulf %get3A_246, %mul3A_248 : vector<8x128xf32>
    %get3A_250 = arith.constant 1 : index
    %get3A_251 = arith.constant 0 : index
    %get3A_252 = arith.constant 0 : index
    %get3A_253 = vector.load %arg8[%get3A_250, %get3A_251, %get3A_252] : memref<2x8x128xf32, #tpu.memory_space<vmem>>, vector<1x8x128xf32>
    %get3A_254 = vector.shape_cast %get3A_253 : vector<1x8x128xf32> to vector<8x128xf32>
    %mul3A_255 = arith.constant 1.000000e+04 : f32
    %mul3A_256 = vector.broadcast %mul3A_255 : f32 to vector<8x128xf32>
    %mul3A_257 = arith.mulf %get3A_254, %mul3A_256 : vector<8x128xf32>
    %add3A_258 = arith.addf %mul3A_249, %mul3A_257 : vector<8x128xf32>
    %add3A_259 = arith.addf %min3A_187, %add3A_258 : vector<8x128xf32>
    %add3A_260 = arith.addf %min3A_197, %add3A_258 : vector<8x128xf32>
    %add3A_261 = arith.addf %min3A_207, %add3A_258 : vector<8x128xf32>
    %add3A_262 = arith.addf %min3A_217, %add3A_258 : vector<8x128xf32>
    %sub3A_263 = arith.subf %add3A_261, %add3A_259 : vector<8x128xf32>
    %add3A_264 = arith.constant 1.000000e+00 : f32
    %add3A_265 = vector.broadcast %add3A_264 : f32 to vector<8x128xf32>
    %add3A_266 = arith.addf %sub3A_263, %add3A_265 : vector<8x128xf32>
    %sub3A_267 = arith.subf %add3A_262, %add3A_260 : vector<8x128xf32>
    %add3A_268 = arith.constant 1.000000e+00 : f32
    %add3A_269 = vector.broadcast %add3A_268 : f32 to vector<8x128xf32>
    %add3A_270 = arith.addf %sub3A_267, %add3A_269 : vector<8x128xf32>
    %mul3A_271 = arith.mulf %add3A_266, %add3A_270 : vector<8x128xf32>
    %iota3A_272 = tpu.iota {dimensions = array<i32: 0>} : vector<8x128xi32>
    %iota3A_273 = tpu.iota {dimensions = array<i32: 1>} : vector<8x128xi32>
    %mul3A_274 = arith.constant 128 : i32
    %mul3A_275 = vector.broadcast %mul3A_274 : i32 to vector<8x128xi32>
    %mul3A_276 = arith.muli %iota3A_272, %mul3A_275 : vector<8x128xi32>
    %add3A_277 = arith.addi %mul3A_276, %iota3A_273 : vector<8x128xi32>
    %scan3A_278 = arith.constant -3.000000e+38 : f32
    %scan3A_279 = arith.constant 0 : i32
    %scan3A_280 = arith.constant 1000 : i32
    %scan3A_281 = arith.addi %scan3A_279, %scan3A_280 : i32
    %scan3A_282 = arith.constant 1 : i32
    %scan3A_283 = scf.for %scan3A_321 = %scan3A_279 to %scan3A_281 step %scan3A_282 iter_args(%scan3A_322 = %select_n3A_241) -> (vector<8x128xf32>)  : i32 {
      %eq3A = vector.broadcast %scan3A_321 : i32 to vector<8x128xi32>
      %eq3A_323 = arith.cmpi eq, %add3A_277, %eq3A : vector<8x128xi32>
      %broadcast_in_dim3A_324 = vector.broadcast %scan3A_278 : f32 to vector<8x128xf32>
      %select_n3A_325 = arith.select %eq3A_323, %add3A_259, %broadcast_in_dim3A_324 : vector<8x128xi1>, vector<8x128xf32>
      %reduce_max3A = vector.shape_cast %select_n3A_325 : vector<8x128xf32> to vector<1x8x128xf32>
      %reduce_max3A_326 = arith.constant dense<0xFF800000> : vector<1xf32>
      %reduce_max3A_327 = vector.multi_reduction <maximumf>, %reduce_max3A, %reduce_max3A_326 [1, 2] : vector<1x8x128xf32> to vector<1xf32>
      %reduce_max3A_328 = vector.shape_cast %reduce_max3A_327 : vector<1xf32> to vector<1x1x1xf32>
      %reduce_max3A_329 = vector.extract %reduce_max3A_328[0, 0, 0] : f32 from vector<1x1x1xf32>
      %broadcast_in_dim3A_330 = vector.broadcast %scan3A_278 : f32 to vector<8x128xf32>
      %select_n3A_331 = arith.select %eq3A_323, %add3A_260, %broadcast_in_dim3A_330 : vector<8x128xi1>, vector<8x128xf32>
      %reduce_max3A_332 = vector.shape_cast %select_n3A_331 : vector<8x128xf32> to vector<1x8x128xf32>
      %reduce_max3A_333 = arith.constant dense<0xFF800000> : vector<1xf32>
      %reduce_max3A_334 = vector.multi_reduction <maximumf>, %reduce_max3A_332, %reduce_max3A_333 [1, 2] : vector<1x8x128xf32> to vector<1xf32>
      %reduce_max3A_335 = vector.shape_cast %reduce_max3A_334 : vector<1xf32> to vector<1x1x1xf32>
      %reduce_max3A_336 = vector.extract %reduce_max3A_335[0, 0, 0] : f32 from vector<1x1x1xf32>
      %broadcast_in_dim3A_337 = vector.broadcast %scan3A_278 : f32 to vector<8x128xf32>
      %select_n3A_338 = arith.select %eq3A_323, %add3A_261, %broadcast_in_dim3A_337 : vector<8x128xi1>, vector<8x128xf32>
      %reduce_max3A_339 = vector.shape_cast %select_n3A_338 : vector<8x128xf32> to vector<1x8x128xf32>
      %reduce_max3A_340 = arith.constant dense<0xFF800000> : vector<1xf32>
      %reduce_max3A_341 = vector.multi_reduction <maximumf>, %reduce_max3A_339, %reduce_max3A_340 [1, 2] : vector<1x8x128xf32> to vector<1xf32>
      %reduce_max3A_342 = vector.shape_cast %reduce_max3A_341 : vector<1xf32> to vector<1x1x1xf32>
      %reduce_max3A_343 = vector.extract %reduce_max3A_342[0, 0, 0] : f32 from vector<1x1x1xf32>
      %broadcast_in_dim3A_344 = vector.broadcast %scan3A_278 : f32 to vector<8x128xf32>
      %select_n3A_345 = arith.select %eq3A_323, %add3A_262, %broadcast_in_dim3A_344 : vector<8x128xi1>, vector<8x128xf32>
      %reduce_max3A_346 = vector.shape_cast %select_n3A_345 : vector<8x128xf32> to vector<1x8x128xf32>
      %reduce_max3A_347 = arith.constant dense<0xFF800000> : vector<1xf32>
      %reduce_max3A_348 = vector.multi_reduction <maximumf>, %reduce_max3A_346, %reduce_max3A_347 [1, 2] : vector<1x8x128xf32> to vector<1xf32>
      %reduce_max3A_349 = vector.shape_cast %reduce_max3A_348 : vector<1xf32> to vector<1x1x1xf32>
      %reduce_max3A_350 = vector.extract %reduce_max3A_349[0, 0, 0] : f32 from vector<1x1x1xf32>
      %jit3A_351 = arith.constant 0.000000e+00 : f32
      %broadcast_in_dim3A_352 = vector.broadcast %jit3A_351 : f32 to vector<8x128xf32>
      %select_n3A_353 = arith.select %eq3A_323, %scan3A_322, %broadcast_in_dim3A_352 : vector<8x128xi1>, vector<8x128xf32>
      %reduce_max3A_354 = vector.shape_cast %select_n3A_353 : vector<8x128xf32> to vector<1x8x128xf32>
      %reduce_max3A_355 = arith.constant dense<0xFF800000> : vector<1xf32>
      %reduce_max3A_356 = vector.multi_reduction <maximumf>, %reduce_max3A_354, %reduce_max3A_355 [1, 2] : vector<1x8x128xf32> to vector<1xf32>
      %reduce_max3A_357 = vector.shape_cast %reduce_max3A_356 : vector<1xf32> to vector<1x1x1xf32>
      %reduce_max3A_358 = vector.extract %reduce_max3A_357[0, 0, 0] : f32 from vector<1x1x1xf32>
      %sub3A_359 = arith.subf %reduce_max3A_343, %reduce_max3A_329 : f32
      %add3A_360 = arith.constant 1.000000e+00 : f32
      %add3A_361 = arith.addf %sub3A_359, %add3A_360 : f32
      %sub3A_362 = arith.subf %reduce_max3A_350, %reduce_max3A_336 : f32
      %add3A_363 = arith.constant 1.000000e+00 : f32
      %add3A_364 = arith.addf %sub3A_362, %add3A_363 : f32
      %mul3A_365 = arith.mulf %add3A_361, %add3A_364 : f32
      %min3A_366 = vector.broadcast %reduce_max3A_343 : f32 to vector<8x128xf32>
      %min3A_367 = arith.minimumf %min3A_366, %add3A_261 : vector<8x128xf32>
      %max3A_368 = vector.broadcast %reduce_max3A_329 : f32 to vector<8x128xf32>
      %max3A_369 = arith.maximumf %max3A_368, %add3A_259 : vector<8x128xf32>
      %sub3A_370 = arith.subf %min3A_367, %max3A_369 : vector<8x128xf32>
      %add3A_371 = arith.constant 1.000000e+00 : f32
      %add3A_372 = vector.broadcast %add3A_371 : f32 to vector<8x128xf32>
      %add3A_373 = arith.addf %sub3A_370, %add3A_372 : vector<8x128xf32>
      %max3A_374 = arith.constant 0.000000e+00 : f32
      %max3A_375 = vector.broadcast %max3A_374 : f32 to vector<8x128xf32>
      %max3A_376 = arith.maximumf %add3A_373, %max3A_375 : vector<8x128xf32>
      %min3A_377 = vector.broadcast %reduce_max3A_350 : f32 to vector<8x128xf32>
      %min3A_378 = arith.minimumf %min3A_377, %add3A_262 : vector<8x128xf32>
      %max3A_379 = vector.broadcast %reduce_max3A_336 : f32 to vector<8x128xf32>
      %max3A_380 = arith.maximumf %max3A_379, %add3A_260 : vector<8x128xf32>
      %sub3A_381 = arith.subf %min3A_378, %max3A_380 : vector<8x128xf32>
      %add3A_382 = arith.constant 1.000000e+00 : f32
      %add3A_383 = vector.broadcast %add3A_382 : f32 to vector<8x128xf32>
      %add3A_384 = arith.addf %sub3A_381, %add3A_383 : vector<8x128xf32>
      %max3A_385 = arith.constant 0.000000e+00 : f32
      %max3A_386 = vector.broadcast %max3A_385 : f32 to vector<8x128xf32>
      %max3A_387 = arith.maximumf %add3A_384, %max3A_386 : vector<8x128xf32>
      %mul3A_388 = arith.mulf %max3A_376, %max3A_387 : vector<8x128xf32>
      %add3A_389 = vector.broadcast %mul3A_365 : f32 to vector<8x128xf32>
      %add3A_390 = arith.addf %add3A_389, %mul3A_271 : vector<8x128xf32>
      %sub3A_391 = arith.subf %add3A_390, %mul3A_388 : vector<8x128xf32>
      %div3A = arith.divf %mul3A_388, %sub3A_391 : vector<8x128xf32>
      %gt3A_392 = arith.constant 5.000000e-01 : f32
      %gt3A_393 = vector.broadcast %gt3A_392 : f32 to vector<8x128xf32>
      %gt3A_394 = arith.cmpf ogt, %div3A, %gt3A_393 : vector<8x128xf32>
      %gt3A_395 = vector.broadcast %scan3A_321 : i32 to vector<8x128xi32>
      %gt3A_396 = arith.cmpi sgt, %add3A_277, %gt3A_395 : vector<8x128xi32>
      %and3A_397 = arith.andi %gt3A_394, %gt3A_396 : vector<8x128xi1>
      %jit3A_398 = arith.constant 1.000000e+00 : f32
      %jit3A_399 = arith.constant 0.000000e+00 : f32
      %broadcast_in_dim3A_400 = vector.broadcast %jit3A_398 : f32 to vector<8x128xf32>
      %broadcast_in_dim3A_401 = vector.broadcast %jit3A_399 : f32 to vector<8x128xf32>
      %select_n3A_402 = arith.select %and3A_397, %broadcast_in_dim3A_400, %broadcast_in_dim3A_401 : vector<8x128xi1>, vector<8x128xf32>
      %mul3A_403 = vector.broadcast %reduce_max3A_358 : f32 to vector<8x128xf32>
      %mul3A_404 = arith.mulf %select_n3A_402, %mul3A_403 : vector<8x128xf32>
      %sub3A_405 = arith.constant 1.000000e+00 : f32
      %sub3A_406 = vector.broadcast %sub3A_405 : f32 to vector<8x128xf32>
      %sub3A_407 = arith.subf %sub3A_406, %mul3A_404 : vector<8x128xf32>
      %mul3A_408 = arith.mulf %scan3A_322, %sub3A_407 : vector<8x128xf32>
      scf.yield %mul3A_408 : vector<8x128xf32>
    }
    %scan3A_284 = arith.constant 1000 : i32
    %gt3A_285 = arith.constant 0.000000e+00 : f32
    %gt3A_286 = vector.broadcast %gt3A_285 : f32 to vector<8x128xf32>
    %gt3A_287 = arith.cmpf ogt, %scan3A_283, %gt3A_286 : vector<8x128xf32>
    %jit3A_288 = arith.constant -1.000000e+00 : f32
    %broadcast_in_dim3A_289 = vector.broadcast %jit3A_288 : f32 to vector<8x128xf32>
    %select_n3A_290 = arith.select %gt3A_287, %get3A_157, %broadcast_in_dim3A_289 : vector<8x128xi1>, vector<8x128xf32>
    %swap3A_291 = arith.constant 1 : index
    %swap3A_292 = arith.constant 0 : index
    %swap3A_293 = arith.constant 0 : index
    %swap3A_294 = vector.load %arg11[%swap3A_291, %swap3A_292, %swap3A_293] : memref<2x8x128xf32, #tpu.memory_space<vmem>>, vector<1x8x128xf32>
    %swap3A_295 = vector.shape_cast %swap3A_294 : vector<1x8x128xf32> to vector<8x128xf32>
    %swap3A_296 = vector.shape_cast %select_n3A_290 : vector<8x128xf32> to vector<1x8x128xf32>
    tpu.vector_store %arg11[%swap3A_291, %swap3A_292, %swap3A_293], %swap3A_296 {strides = array<i32>} : memref<2x8x128xf32, #tpu.memory_space<vmem>>, vector<1x8x128xf32>,
    %swap3A_297 = arith.constant 1 : index
    %swap3A_298 = arith.constant 0 : index
    %swap3A_299 = arith.constant 0 : index
    %swap3A_300 = vector.load %arg12[%swap3A_297, %swap3A_298, %swap3A_299] : memref<2x8x128xf32, #tpu.memory_space<vmem>>, vector<1x8x128xf32>
    %swap3A_301 = vector.shape_cast %swap3A_300 : vector<1x8x128xf32> to vector<8x128xf32>
    %swap3A_302 = vector.shape_cast %min3A_187 : vector<8x128xf32> to vector<1x8x128xf32>
    tpu.vector_store %arg12[%swap3A_297, %swap3A_298, %swap3A_299], %swap3A_302 {strides = array<i32>} : memref<2x8x128xf32, #tpu.memory_space<vmem>>, vector<1x8x128xf32>,
    %swap3A_303 = arith.constant 1 : index
    %swap3A_304 = arith.constant 0 : index
    %swap3A_305 = arith.constant 0 : index
    %swap3A_306 = vector.load %arg13[%swap3A_303, %swap3A_304, %swap3A_305] : memref<2x8x128xf32, #tpu.memory_space<vmem>>, vector<1x8x128xf32>
    %swap3A_307 = vector.shape_cast %swap3A_306 : vector<1x8x128xf32> to vector<8x128xf32>
    %swap3A_308 = vector.shape_cast %min3A_197 : vector<8x128xf32> to vector<1x8x128xf32>
    tpu.vector_store %arg13[%swap3A_303, %swap3A_304, %swap3A_305], %swap3A_308 {strides = array<i32>} : memref<2x8x128xf32, #tpu.memory_space<vmem>>, vector<1x8x128xf32>,
    %swap3A_309 = arith.constant 1 : index
    %swap3A_310 = arith.constant 0 : index
    %swap3A_311 = arith.constant 0 : index
    %swap3A_312 = vector.load %arg14[%swap3A_309, %swap3A_310, %swap3A_311] : memref<2x8x128xf32, #tpu.memory_space<vmem>>, vector<1x8x128xf32>
    %swap3A_313 = vector.shape_cast %swap3A_312 : vector<1x8x128xf32> to vector<8x128xf32>
    %swap3A_314 = vector.shape_cast %min3A_207 : vector<8x128xf32> to vector<1x8x128xf32>
    tpu.vector_store %arg14[%swap3A_309, %swap3A_310, %swap3A_311], %swap3A_314 {strides = array<i32>} : memref<2x8x128xf32, #tpu.memory_space<vmem>>, vector<1x8x128xf32>,
    %swap3A_315 = arith.constant 1 : index
    %swap3A_316 = arith.constant 0 : index
    %swap3A_317 = arith.constant 0 : index
    %swap3A_318 = vector.load %arg15[%swap3A_315, %swap3A_316, %swap3A_317] : memref<2x8x128xf32, #tpu.memory_space<vmem>>, vector<1x8x128xf32>
    %swap3A_319 = vector.shape_cast %swap3A_318 : vector<1x8x128xf32> to vector<8x128xf32>
    %swap3A_320 = vector.shape_cast %min3A_217 : vector<8x128xf32> to vector<1x8x128xf32>
    tpu.vector_store %arg15[%swap3A_315, %swap3A_316, %swap3A_317], %swap3A_320 {strides = array<i32>} : memref<2x8x128xf32, #tpu.memory_space<vmem>>, vector<1x8x128xf32>,
    return
  }
}

</mosaic_0001>

<sc_bundles>
// kernel: gather_offload_async_start.1
scs
__scs_entry_jumppad:
0x0: {  	(pc) =	sbr.rel $0x88, $3  }
0x1: {  	(tag) =	ssettag $0x0;
	lr =	simm.s32 $0x1  }
0x2: {  	[smem:$0x3F9B] =	sst lr;
	_ =	strace $0xD0000000  }
0x3: {  	_ = 	snop  }
0x4: {  	_ = 	snop  }
0x5: {  	_ = 	snop  }
0x6: {  	_ = 	snop  }
0x7: {  	_ = 	snop  }
__scs_overlays_trampoline_lowered:
0x8: {  	[smem:$0x3FAA] =	sst s0  }
0x9: {  	[smem:$0x3FAB] =	sst s1  }
0xa: {  	[smem:$0x3FAC] =	sst s2  }
0xb: {  	[smem:$0x3FAD] =	sst s3  }
0xc: {  	[smem:$0x3FAE] =	sst s4  }
0xd: {  	[smem:$0x3FAF] =	sst s5  }
0xe: {  	[smem:$0x3FB0] =	sst s6  }
0xf: {  	[smem:$0x3FB1] =	sst s7  }
0x10: {  	[smem:$0x3FB2] =	sst s8  }
0x11: {  	[smem:$0x3FB3] =	sst s9;
	s0 =	simm.s32 @!p0 $0x0  }
0x12: {  	s1 =	sld [smem:$0x3F99];
	s0 =	simm.s32 @p0 $0x1  }
0x13: {  	[smem:$0x3FB4] =	sst s0;
	s0 =	simm.s32 @!p1 $0x0  }
0x14: {  	s2 =	sld [smem:$0x3F98];
	s0 =	simm.s32 @p1 $0x1  }
0x15: {  	[smem:$0x3FB5] =	sst s0;
	s0 =	simm.s32 @!p2 $0x0  }
0x16: {  	s3 =	sld [smem:$0x3FDB];
	s0 =	simm.s32 @p2 $0x1  }
0x17: {  	s4 =	simm.s32 $0x1BF5;
	[smem:$0x3FB7] =	sst s0  }
0x18: {  	s0 =	sld [smem:$0x3F9A];
	_ =	swait.ge [sflag:s4], $0x0  }
0x19: {  	s7 =	sld [smem:$0x3F9B]  }
0x1a: {  	s8 =	sadd.s32 $0xFFFFE003, lr  }
0x1b: {  	s9 =	sadd.s32 $0xFFFFFEF7, lr;
	s5 =	simm.s32 $0xFFFFFFFF;
	p2 =	slt.u32 s8, $0xFFFFF086  }
0x1c: {  	p1 =	slt.u32 s9, $0xF7A;
	s5 =	simm.s32 @!p2 $0x0  }
0x1d: {  	s5 =	simm.s32 @p1 $0x1;
	p0 =	seq.s32 s7, s2  }
0x1e: {  	s7 =	smul.u32 @!p0 $0xF7A, s2;
	p2 =	seq.s32 @!p0 s5, $0x0  }
0x1f: {  	s9 =	smul.u32 $0xF7A, s1;
	s8 =	simm.s32 @!p0 $0x1BF5;
	p2 =	por !p2, p0  }
0x20: {  	[sflag:s8] =	ssyncset.s32 @!p0 $0xFFFFF086;
	s6 =	sadd.s32 @!p0 s3, s7;
	s7 =	simm.s32 @!p0 $0x108  }
0x21: {  	s3 =	sadd.s32 s3, s9;
	s6 =	sadd.s32 @!p0 $0x88, s6;
	s7 =	simm.s32 @p2 $0x1082  }
0x22: {  	[simem:s7], [sflag:s8] =	dma.local @!p0 [hbm:s6], $0xF7A  }
0x23: {  	s9 =	sor.u32 $0xD0000000, s2;
	s6 =	simm.s32 $0x108;
	_ =	swait.ge @!p0 [sflag:s8], $0x0  }
0x24: {  	s3 =	sadd.s32 $0x88, s3;
	s6 =	simm.s32 @!p1 $0x1082;
	[sflag:s4] =	ssyncset.s32 $0xFFFFF086  }
0x25: {  	[simem:s6], [sflag:s4] =	dma.local [hbm:s3], $0xF7A  }
0x26: {  	[smem:$0x3F9B] =	sst s1;
	(tag) =	ssettag s2;
	_ =	strace s9  }
0x27: {  	s1 =	sld [smem:$0x3FAB]  }
0x28: {  	s2 =	sld [smem:$0x3FAC]  }
0x29: {  	s4 =	sld [smem:$0x3FAE]  }
0x2a: {  	p0 =	seq.s32 s5, $0x0;
	s5 =	sld [smem:$0x3FAF]  }
0x2b: {  	s6 =	sld [smem:$0x3FB0]  }
0x2c: {  	s7 =	sld [smem:$0x3FB1]  }
0x2d: {  	s3 =	simm.s32 $0x108;
	s8 =	sld [smem:$0x3FB2]  }
0x2e: {  	s3 =	simm.s32 @!p0 $0x1082;
	s9 =	sld [smem:$0x3FB3]  }
0x2f: {  	lr =	sadd.s32 s0, s3;
	s0 =	sld [smem:$0x3FAA]  }
0x30: {  	s3 =	sld [smem:$0x3FAD]  }
0x31: {  	[smem:$0x3FB6] =	sst s10  }
0x32: {  	s10 =	sld [smem:$0x3FB4];
	_ =	sdelay $0x3  }
0x33: {  	p0 =	seq.s32 s10, $0x1;
	s10 =	sld [smem:$0x3FB6];
	_ =	sdelay $0x3  }
0x34: {  	[smem:$0x3FB6] =	sst s10  }
0x35: {  	s10 =	sld [smem:$0x3FB5];
	_ =	sdelay $0x3  }
0x36: {  	p1 =	seq.s32 s10, $0x1;
	s10 =	sld [smem:$0x3FB6];
	_ =	sdelay $0x3  }
0x37: {  	[smem:$0x3FB6] =	sst s10  }
0x38: {  	s10 =	sld [smem:$0x3FB7]  }
0x39: {  	_ = 	snop;
	(pc) =	sbr.ind lr, $3  }
0x3a: {  	_ = 	snop  }
0x3b: {  	_ = 	snop  }
0x3c: {  	p2 =	seq.s32 s10, $0x1;
	s10 =	sld [smem:$0x3FB6]  }
0x3d: {  	_ =	shalt  }
0x3e: {  	_ =	shalt  }
0x3f: {  	_ =	shalt  }
0x40: {  	_ =	shalt  }
0x41: {  	_ =	shalt  }
0x42: {  	_ =	shalt  }
0x43: {  	_ =	shalt  }
0x44: {  	_ =	shalt  }
0x45: {  	_ =	shalt  }
0x46: {  	_ =	shalt  }
0x47: {  	_ =	shalt  }
0x48: {  	_ =	shalt  }
0x49: {  	_ =	shalt  }
0x4a: {  	_ =	shalt  }
0x4b: {  	_ =	shalt  }
0x4c: {  	_ =	shalt  }
0x4d: {  	_ =	shalt  }
0x4e: {  	_ =	shalt  }
0x4f: {  	_ =	shalt  }
0x50: {  	_ =	shalt  }
0x51: {  	_ =	shalt  }
0x52: {  	_ =	shalt  }
0x53: {  	_ =	shalt  }
0x54: {  	_ =	shalt  }
0x55: {  	_ =	shalt  }
0x56: {  	_ =	shalt  }
0x57: {  	_ =	shalt  }
0x58: {  	_ =	shalt  }
0x59: {  	_ =	shalt  }
0x5a: {  	_ =	shalt  }
0x5b: {  	_ =	shalt  }
0x5c: {  	_ =	shalt  }
0x5d: {  	_ =	shalt  }
0x5e: {  	_ =	shalt  }
0x5f: {  	_ =	shalt  }
0x60: {  	_ =	shalt  }
0x61: {  	_ =	shalt  }
0x62: {  	_ =	shalt  }
0x63: {  	_ =	shalt  }
0x64: {  	_ =	shalt  }
0x65: {  	_ =	shalt  }
0x66: {  	_ =	shalt  }
0x67: {  	_ =	shalt  }
0x68: {  	_ =	shalt  }
0x69: {  	_ =	shalt  }
0x6a: {  	_ =	shalt  }
0x6b: {  	_ =	shalt  }
0x6c: {  	_ =	shalt  }
0x6d: {  	_ =	shalt  }
0x6e: {  	_ =	shalt  }
0x6f: {  	_ =	shalt  }
0x70: {  	_ =	shalt  }
0x71: {  	_ =	shalt  }
0x72: {  	_ =	shalt  }
0x73: {  	_ =	shalt  }
0x74: {  	_ =	shalt  }
0x75: {  	_ =	shalt  }
0x76: {  	_ =	shalt  }
0x77: {  	_ =	shalt  }
0x78: {  	_ =	shalt  }
0x79: {  	_ =	shalt  }
0x7a: {  	_ =	shalt  }
0x7b: {  	_ =	shalt  }
0x7c: {  	_ =	shalt  }
0x7d: {  	_ =	shalt  }
0x7e: {  	_ =	shalt  }
0x7f: {  	_ =	shalt  }
0x80: {  	_ =	shalt  }
0x81: {  	_ =	shalt  }
0x82: {  	_ =	shalt  }
0x83: {  	_ =	shalt  }
0x84: {  	_ =	shalt  }
0x85: {  	_ =	shalt  }
0x86: {  	_ =	shalt  }
0x87: {  	_ =	shalt  }
.Lfunc_end0:
.L_simem_size_0:
called_computation.1_lowered:
.L_overlay_start_0:
0x88: {  	s0 =	sld [smem:$0x3FD9]  }
0x89: {  	s1 =	sld [smem:$0x3FFE];
	_ =	sdelay $0x3  }
0x8a: {  	s0 =	sadd.s32 s1, s0  }
0x8b: {  	[smem:$0x3FC2] =	sst s0  }
0x8c: {  	_ = 	snop  }
0x8d: {  	(tm) =	ssettm $0x1  }
0x8e: {  	s15 =	sld [smem:$0x3FFB];
	_ =	sdelay $0x3  }
0x8f: {  	_ =	strace s15  }
0x90: {  	s0 =	sld [smem:$0x3FFC];
	_ =	sdelay $0x3  }
0x91: {  	_ =	strace s0  }
0x92: {  	s0 =	sld [smem:$0x3FFD];
	_ =	sdelay $0x3  }
0x93: {  	_ =	strace s0  }
0x94: {  	_ =	strace $0x8FFFFFFF  }
0x95: {  	s16 =	sld [smem:$0x3FDB];
	_ =	sdelay $0x1  }
0x96: {  	s17 =	simm.s32 $_scs_section_size  }
0x97: {  	s2 =	simm.s32 $_size__tile_overlayer_lowered;
	s3 =	simm.s32 $_tile_overlayer_lowered  }
0x98: {  	s20 =	simm.s32 $0x1BFF;
	s19 =	sshll.u32 s3, $0x1;
	s0 =	sadd.s32 s17, s16  }
0x99: {  	s4 =	simm.s32 $0x0;
	s18 =	sshll.u32 s2, $0x1;
	s2 =	sadd.s32 s19, s0  }
0x9a: {  	[timem:s4], [sflag:s20] =	dma.local [hbm:s2], s18  }
0x9b: {  	_ =	swait.ge [sflag:s20], s18  }
0x9c: {  	s1 =	ssub.s32 $0x0, s18;
	[sflag:s20] =	ssyncset.done $0x0  }
0x9d: {  	[sflag:s20] =	ssyncadd.s32 s1;
	_ =	sdelay $0x1  }
0x9e: {  	s21 =	simm.s32 $0x1B8B  }
0x9f: {  	_ =	swait.ge [sflag:s21], $0x1  }
0xa0: {  	[sflag:s21] =	ssyncset.done $0x0  }
0xa1: {  	s23 =	simm.s32 $0x1B8E;
	s22 =	sld [smem:$0x3FFE];
	[sflag:s21] =	ssyncadd.s32 $0xFFFFFFFF  }
0xa2: {  	s24 =	simm.s32 $execute0_lowered;
	[smem:$0x3FD2] =	sst s23  }
0xa3: {  	s2 =	sshll.u32 s24, $0x1;
	_ =	strace $0x8000004F;
	[dreg:$0x1] =	wrdreg $0xFFFFFFFF  }
0xa4: {  	s25 =	simm.s32 $_size_execute0_lowered;
	s0 =	sadd.s32 s0, s2;
	[dreg:$0x0] =	wrdreg $0x0  }
0xa5: {  	s2 =	sshll.u32 s25, $0x1;
	[dreg:$0x2] =	wrdreg s0  }
0xa6: {  	[dreg:$0x3] =	wrdreg s2  }
0xa7: {  	[dreg:$0x4] =	wrdreg $0xC0  }
0xa8: {  	_ =	task [dreg:s4], $0x5FFFF  }
0xa9: {  	[dreg:$0x1] =	wrdreg $0xFFFFFFFF  }
0xaa: {  	[dreg:$0x0] =	wrdreg $0x60  }
0xab: {  	[dreg:$0x2] =	wrdreg s22  }
0xac: {  	[dreg:$0x3] =	wrdreg $0x9  }
0xad: {  	_ =	task.clear_ibuf [dreg:s4], $0x4FFFF;
	_ =	strace $0x9000004F  }
0xae: {  	s26 =	simm.s32 $0x9;
	_ =	strace $0x80000051  }
0xaf: {  	_ =	swait.ge [sflag:s26], $0x1  }
0xb0: {  	[sflag:s26] =	ssyncadd.s32 $0xFFFFFFFF  }
0xb1: {  	_ =	strace $0x90000051  }
0xb2: {  	_ =	sfence  }
0xb3: {  	s28 =	sld [smem:$0x0];
	_ =	sdelay $0x1  }
0xb4: {  	s29 =	srdreg.scid  }
0xb5: {  	s30 =	sshll.u32 s29, $0xD;
	s31 =	sshrl.u32 s29, $0x2  }
0xb6: {  	s1 =	sand.u32 $0x1, s29;
	s2 =	sand.u32 $0x4000, s30;
	s0 =	sadd.s32 s31, s28  }
0xb7: {  	s1 =	sor.u32 s2, s1;
	s0 =	sshll.u32 s0, $0x11  }
0xb8: {  	s0 =	sor.u32 s0, s1  }
0xb9: {  	s0 =	sadd.s32 $0x8F2B, s0  }
0xba: {  	[sflag:s0] =	ssyncadd.remote.s32 $0x1  }
0xbb: {  	_ =	sfence.sel $0xFFFF  }
0xbc: {  	[dreg:$0x0] =	wrdreg $0xFFFFFFFF;
	(pc) =	sbr.abs _section_cstart, $3  }
0xbd: {  	[dreg:$0x1] =	wrdreg $0xFFFFFFFF  }
0xbe: {  	_ =	task.clear_ibuf [dreg:s4], $0x2FFFF;
	_ =	strace $0x9FFFFFFF  }
0xbf: {  	(tm) =	ssettm $0x7FFFFFFF  }
tec
execute0_lowered:
.L_overlay_start_1:
0x0: {  	(tag) =	ssettag $0x1  }
0x1: {  	s0 =	stileid.u32  }
0x2: {  	s1 =	smin.u32 s0, $0x9  }
0x3: {  	s1 =	sadd.s32 s0, s1  }
0x4: {  	p0 =	slt.u32 s0, $0x9;
	s2 =	smul.u32 $0x50, s1;
	s1 =	simm.s32 $0xA0  }
0x5: {  	s1 =	simm.s32 @!p0 $0x50  }
0x6: {  	s1 =	sadd.s32 s1, s2  }
0x7: {  	s3 =	smin.u32 s1, $0x7D0  }
0x8: {  	s7 =	ssub.s32 s3, s2  }
0x9: {  	p0 =	sgt.s32 s7, $0x0  }
0xa: {  	s7 =	simm.s32 @!p0 $0x0  }
0xb: {  	s31 =	smul.u32 $0xCCCD, s7  }
0xc: {  	s4 =	rddreg [dreg:$0x0];
	s6 =	simm.s32 $0x1  }
0xd: {  	s10 =	simm.s32 $0x3;
	s13 =	simm.s32 $0x0;
	s8 =	sshrl.u32 s31, $0x16  }
0xe: {  	s12 =	simm.s32 $0x0;
	s5 =	sadd.s32 $0x200, s4;
	s9 =	smul.u32 $0x50, s8  }
.Ltmp0:
0xf: {  	s11 =	smov.u32 s2;
	s1 =	rddreg [dreg:$0x1];
	(pc) =	sbr.rel .LBB2_1-.Ltmp0, $4  }
0x10: {  	_ =	strace $0x80000050;
	p0 =	sne.s32 s7, s9;
	s9 =	simm.s32 $0x1  }
0x11: {  	[sflag:s6] =	ssyncpa.u1 $0x0;
	s7 =	simm.s32 $0x2;
	s9 =	simm.s32 @!p0 $0x0  }
0x12: {  	[sflag:s7] =	ssyncpa.u1 $0x0;
	p0 =	por $0x0, $0x0;
	s8 =	sadd.s32 s8, s9  }
0x13: {  	v0 =	vimm.s32 $0x0;
	vm0 =	vmmov $0xff;
	vm1 =	vcmask $0x3F20;
	s9 =	sadd.s32 $0x9C600, s4;
	[sflag:s10] =	ssyncpa.u1 $0x0;
	s10 =	sadd.s32 $0x1, s8  }
.LBB2_6:
0x14: {  	[hbm:s17] =	stream.linear.scatter [tilespmem:s14], [sflag:$0x3], $0x400, $0x38;
	[tilespmem:$0x50A0] =	vst v63  }
.LBB2_7:
0x15: {  	s13 =	sadd.s32 $0x50, s11  }
0x16: {  	s15 =	smov.u32 s2;
	p2 =	slt.s32 s13, s3  }
0x17: {  	s15 =	smov.u32 @p2 s13;
	p2 =	sne.s32 s12, s10  }
.Ltmp1:
0x18: {  	p1 =	slt.u32 s12, $0x2;
	(pc) =	sbr.rel @!p2 .LBB2_8-.Ltmp1, $4  }
0x19: {  	s14 =	simm.s32 @!p1 $0x3  }
0x1a: {  	s16 =	sadd.s32 $0x1, s12;
	_ =	swait.ge @!p1 [sflag:s14], $0x2800  }
0x1b: {  	p0 =	por !p0, !p0;
	s13 =	smov.u32 s11;
	[sflag:s14] =	ssyncset.done @!p1 $0x0  }
0x1c: {  	s12 =	smov.u32 s16;
	s11 =	smov.u32 s15;
	[sflag:s14] =	ssyncadd.s32 @!p1 $0xFFFFD800  }
.LBB2_1:
0x1d: {  	p1 =	sge.u32 s12, s8  }
0x1e: {  	s14 =	sxor.u32 @!p1 $0xFFFFFFFF, s12  }
0x1f: {  	s14 =	sand.u32 @!p1 $0x1, s14  }
0x20: {  	s14 =	smul.u32 @!p1 $0x140, s14  }
0x21: {  	s31 =	sadd.s32 $0xFFFFFFFF, s12;
	s15 =	sshrl.u32 @!p1 s11, $0x3  }
0x22: {  	s16 =	sand.u32 @!p1 $0x7, s11;
	s15 =	sadd.s32 @!p1 s4, s15;
	s14 =	sshrl.u32 @!p1 s14, $0x2  }
0x23: {  	[tilespmem:s14], [sflag:$0x2] =	stream.linear.gather @!p1 [hbm4b:s15+s16], $0x50, $0x38;
	[tilespmem:$0x50A0] =	vst v63  }
0x24: {  	p1 =	sge.u32 s31, s8  }
.Ltmp2:
0x25: {  	_ = 	snop;
	(pc) =	sbr.rel @p1 .LBB2_7-.Ltmp2, $1  }
0x26: {  	_ =	sdelay $0x3  }
0x27: {  	s14 =	simm.s32 $0x1  }
0x28: {  	s14 =	simm.s32 @!p0 $0x0  }
0x29: {  	s15 =	smul.u32 $0x140, s14  }
0x2a: {  	_ =	swait.ge [sflag:s7], $0x50  }
0x2b: {  	[sflag:s7] =	ssyncset.done $0x0;
	s16 =	sshrl.u32 s15, $0x2  }
0x2c: {  	[sflag:s7] =	ssyncadd.s32 $0xFFFFFFB0;
	s15 =	sadd.s32 $0x0, s16  }
0x2d: {  	v1 =	vld.msk [tilespmem:s15+$0x0 ss:$0x1], $0xffff;
	_ =	sdelay $0x4  }
0x2e: {  	v2 =	vand.u32 $0x1, v1;
	v3 =	vshll.u32 v1, $0x6  }
0x2f: {  	vm2 =	veq.s32 v1, $0x80000000;
	vm3 =	veq.s32 v2, $0x1;
	v1 =	vand.u32 $0x3FFF80, v3  }
0x30: {  	v2 =	vsel vm3, $0x271000, v0;
	v1 =	vsel vm2, $0xFFFFFF80, v1  }
0x31: {  	v2 =	vsel vm2, $0xFFD8F000, v2;
	v3 =	vand.u32 $0xFFFFFC00, v1  }
0x32: {  	v1 =	vand.u32 $0x380, v1;
	v2 =	vadd.s32 v2, v3  }
0x33: {  	v1 =	vor.u32 v1, v2  }
0x34: {  	v1 =	vshrl.u32 v1, $0x3  }
0x35: {  	s14 =	smul.u32 $0xA000, s14;
	_ =	sdelay $0x1  }
0x36: {  	s14 =	sshrl.u32 s14, $0x2  }
0x37: {  	s14 =	sor.u32 $0xA0, s14  }
0x38: {  	[tilespmem:s14], [sflag:$0x1] =	stream.indirect_vreg.gather [hbm:s5], $0x80, v1, vm0, $0x38;
	[tilespmem:$0x50A0] =	vst v63  }
0x39: {  	s17 =	sadd.s32 $0x10, s16;
	s15 =	sadd.s32 $0x400, s14  }
0x3a: {  	[tilespmem:s15], [sflag:$0x1] =	stream.indirect_vreg.gather [hbm:s5], $0x80, v1, vm1, $0x38;
	[tilespmem:$0x50A0] =	vst v63  }
0x3b: {  	s18 =	simm.s32 $0x80;
	v1 =	vld.msk [tilespmem:s17+$0x0 ss:$0x1], $0xffff;
	s17 =	smov.u32 s14  }
.LBB2_3:
0x3c: {  	p1 =	sne.s32 s18, $0x100;
	_ =	sdelay $0x4  }
0x3d: {  	v2 =	vand.u32 $0x1, v1;
	v3 =	vshll.u32 v1, $0x6  }
0x3e: {  	vm2 =	veq.s32 v1, $0x80000000;
	vm3 =	veq.s32 v2, $0x1;
	v1 =	vand.u32 $0x3FFF80, v3  }
0x3f: {  	v2 =	vsel vm3, $0x271000, v0;
	v1 =	vsel vm2, $0xFFFFFF80, v1  }
0x40: {  	v2 =	vsel vm2, $0xFFD8F000, v2;
	v3 =	vand.u32 $0xFFFFFC00, v1  }
0x41: {  	v1 =	vand.u32 $0x380, v1;
	v2 =	vadd.s32 v2, v3  }
0x42: {  	v1 =	vor.u32 v1, v2  }
0x43: {  	v1 =	vshrl.u32 v1, $0x3;
	_ =	sdelay $0x3  }
.Ltmp3:
0x44: {  	s19 =	sshra.s32 s18, $0x2;
	s17 =	sadd.s32 $0x800, s17;
	(pc) =	sbr.rel @p1 .LBB2_3-.Ltmp3, $4  }
0x45: {  	[tilespmem:s17], [sflag:$0x1] =	stream.indirect_vreg.gather [hbm:s5], $0x80, v1, vm0, $0x38;
	[tilespmem:$0x50A0] =	vst v63  }
0x46: {  	s19 =	sadd.s32 s19, s16;
	s20 =	sadd.s32 $0x400, s17  }
0x47: {  	[tilespmem:s20], [sflag:$0x1] =	stream.indirect_vreg.gather [hbm:s5], $0x80, v1, vm1, $0x38;
	[tilespmem:$0x50A0] =	vst v63  }
0x48: {  	s18 =	sadd.s32 $0x40, s18;
	v1 =	vld.msk [tilespmem:s19+$0x0 ss:$0x1], $0xffff  }
0x49: {  	_ =	sdelay $0x3  }
0x4a: {  	v2 =	vand.u32 $0x1, v1;
	v3 =	vshll.u32 v1, $0x6  }
0x4b: {  	vm2 =	veq.s32 v1, $0x80000000;
	vm3 =	veq.s32 v2, $0x1;
	v1 =	vand.u32 $0x3FFF80, v3  }
0x4c: {  	v2 =	vsel vm3, $0x271000, v0;
	v1 =	vsel vm2, $0xFFFFFF80, v1  }
0x4d: {  	v2 =	vsel vm2, $0xFFD8F000, v2;
	v3 =	vand.u32 $0xFFFFFC00, v1  }
0x4e: {  	v1 =	vand.u32 $0x380, v1;
	v2 =	vadd.s32 v2, v3  }
0x4f: {  	v1 =	vor.u32 v1, v2  }
0x50: {  	v1 =	vshrl.u32 v1, $0x3;
	_ =	sdelay $0x3  }
0x51: {  	s16 =	sadd.s32 $0x800, s17  }
0x52: {  	[tilespmem:s16], [sflag:$0x1] =	stream.indirect_vreg.gather [hbm:s5], $0x80, v1, vm0, $0x38;
	[tilespmem:$0x50A0] =	vst v63  }
0x53: {  	s16 =	sadd.s32 $0x400, s16  }
0x54: {  	[tilespmem:s16], [sflag:$0x1] =	stream.indirect_vreg.gather [hbm:s5], $0x80, v1, vm1, $0x38;
	[tilespmem:$0x50A0] =	vst v63  }
0x55: {  	s13 =	sshll.u32 s13, $0x4;
	_ =	swait.ge [sflag:s6], $0x2800  }
0x56: {  	s13 =	sadd.s32 s13, s9;
	[sflag:s6] =	ssyncset.done $0x0  }
0x57: {  	s17 =	sadd.s32 $0x0, s13;
	s16 =	simm.s32 $0x80;
	[sflag:s6] =	ssyncadd.s32 $0xFFFFD800  }
.LBB2_5:
0x58: {  	[hbm:s17] =	stream.linear.scatter [tilespmem:s14], [sflag:$0x3], $0x400, $0x38;
	[tilespmem:$0x50A0] =	vst v63  }
0x59: {  	s17 =	smov.u32 s16;
	s14 =	smov.u32 s15;
	p1 =	sne.s32 s16, $0x480  }
.Ltmp4:
0x5a: {  	s16 =	sadd.s32 $0x80, s16;
	(pc) =	sbr.rel @p1 .LBB2_5-.Ltmp4, $2  }
0x5b: {  	_ =	sdelay $0x2  }
0x5c: {  	s15 =	sadd.s32 $0x400, s15;
	s17 =	sadd.s32 s17, s13  }
.Ltmp5:
0x5d: {  	_ = 	snop;
	(pc) =	sbr.rel .LBB2_6-.Ltmp5, $1  }
0x5e: {  	_ =	sdelay $0x3  }
.LBB2_8:
0x5f: {  	_ =	sfence.sel $0x180000  }
0x60: {  	s2 =	simm.s32 $0x2;
	[bflag:$0x0] =	sbarrier.arrive $0xFFFF  }
0x61: {  	s30 =	simm.s32 $0x3;
	[sflag:s2] =	ssyncpa.u1 $0x1  }
0x62: {  	s31 =	simm.s32 $0x1;
	[sflag:s30] =	ssyncpa.u1 $0x1  }
0x63: {  	[sflag:s31] =	ssyncpa.u1 $0x1  }
0x64: {  	p0 =	sne.s32 s0, $0x0;
	_ =	strace $0x90000050  }
0x65: {  	s0 =	sadd.s32 @!p0 $0x100000, s1;
	[bflag:$0x2] =	sbarrier.arrive $0xFFFF  }
0x66: {  	[sflag:s0] =	ssyncadd.tile.s32 @!p0 $0x1;
	_ =	shalt  }
.Lfunc_end2:
_tile_overlayer_lowered:
.L_overlay_start_2:
0x67: {  	(tag) =	ssettag $0x2  }
0x68: {  	s0 =	rddreg [dreg:$0x0];
	s2 =	stileid.u32  }
0x69: {  	s1 =	rddreg [dreg:$0x1];
	p0 =	sne.s32 s2, $0x0  }
0x6a: {  	s3 =	rddreg [dreg:$0x2];
	[bflag:$0x3] =	sbarrier.arrive $0xFFFF;
	s2 =	simm.s32 @!p0 $0x1C01  }
0x6b: {  	[timem:s3], [sflag:s2] =	dma.local @!p0 [hbm:s0], s1  }
0x6c: {  	s0 =	simm.s32 @!p0 $0x1  }
0x6d: {  	_ =	swait.ge @!p0 [sflag:s0], s1  }
0x6e: {  	s1 =	ssub.s32 @!p0 $0x0, s1;
	[sflag:s0] =	ssyncset.done @!p0 $0x0  }
0x6f: {  	[sflag:s0] =	ssyncadd.s32 @!p0 s1  }
0x70: {  	[bflag:$0x3] =	sbarrier.arrive $0xFFFF  }
0x71: {  	_ =	shalt  }

// kernel: gather_offload_async_start.2
scs
__scs_entry_jumppad:
0x0: {  	(pc) =	sbr.rel $0x88, $3  }
0x1: {  	(tag) =	ssettag $0x0;
	lr =	simm.s32 $0x1  }
0x2: {  	[smem:$0x3F9B] =	sst lr;
	_ =	strace $0xD0000000  }
0x3: {  	_ = 	snop  }
0x4: {  	_ = 	snop  }
0x5: {  	_ = 	snop  }
0x6: {  	_ = 	snop  }
0x7: {  	_ = 	snop  }
__scs_overlays_trampoline_lowered:
0x8: {  	[smem:$0x3FAA] =	sst s0  }
0x9: {  	[smem:$0x3FAB] =	sst s1  }
0xa: {  	[smem:$0x3FAC] =	sst s2  }
0xb: {  	[smem:$0x3FAD] =	sst s3  }
0xc: {  	[smem:$0x3FAE] =	sst s4  }
0xd: {  	[smem:$0x3FAF] =	sst s5  }
0xe: {  	[smem:$0x3FB0] =	sst s6  }
0xf: {  	[smem:$0x3FB1] =	sst s7  }
0x10: {  	[smem:$0x3FB2] =	sst s8  }
0x11: {  	[smem:$0x3FB3] =	sst s9;
	s0 =	simm.s32 @!p0 $0x0  }
0x12: {  	s1 =	sld [smem:$0x3F99];
	s0 =	simm.s32 @p0 $0x1  }
0x13: {  	[smem:$0x3FB4] =	sst s0;
	s0 =	simm.s32 @!p1 $0x0  }
0x14: {  	s2 =	sld [smem:$0x3F98];
	s0 =	simm.s32 @p1 $0x1  }
0x15: {  	[smem:$0x3FB5] =	sst s0;
	s0 =	simm.s32 @!p2 $0x0  }
0x16: {  	s3 =	sld [smem:$0x3FDB];
	s0 =	simm.s32 @p2 $0x1  }
0x17: {  	s4 =	simm.s32 $0x1BF5;
	[smem:$0x3FB7] =	sst s0  }
0x18: {  	s0 =	sld [smem:$0x3F9A];
	_ =	swait.ge [sflag:s4], $0x0  }
0x19: {  	s7 =	sld [smem:$0x3F9B]  }
0x1a: {  	s8 =	sadd.s32 $0xFFFFE003, lr  }
0x1b: {  	s9 =	sadd.s32 $0xFFFFFEF7, lr;
	s5 =	simm.s32 $0xFFFFFFFF;
	p2 =	slt.u32 s8, $0xFFFFF086  }
0x1c: {  	p1 =	slt.u32 s9, $0xF7A;
	s5 =	simm.s32 @!p2 $0x0  }
0x1d: {  	s5 =	simm.s32 @p1 $0x1;
	p0 =	seq.s32 s7, s2  }
0x1e: {  	s7 =	smul.u32 @!p0 $0xF7A, s2;
	p2 =	seq.s32 @!p0 s5, $0x0  }
0x1f: {  	s9 =	smul.u32 $0xF7A, s1;
	s8 =	simm.s32 @!p0 $0x1BF5;
	p2 =	por !p2, p0  }
0x20: {  	[sflag:s8] =	ssyncset.s32 @!p0 $0xFFFFF086;
	s6 =	sadd.s32 @!p0 s3, s7;
	s7 =	simm.s32 @!p0 $0x108  }
0x21: {  	s3 =	sadd.s32 s3, s9;
	s6 =	sadd.s32 @!p0 $0x88, s6;
	s7 =	simm.s32 @p2 $0x1082  }
0x22: {  	[simem:s7], [sflag:s8] =	dma.local @!p0 [hbm:s6], $0xF7A  }
0x23: {  	s9 =	sor.u32 $0xD0000000, s2;
	s6 =	simm.s32 $0x108;
	_ =	swait.ge @!p0 [sflag:s8], $0x0  }
0x24: {  	s3 =	sadd.s32 $0x88, s3;
	s6 =	simm.s32 @!p1 $0x1082;
	[sflag:s4] =	ssyncset.s32 $0xFFFFF086  }
0x25: {  	[simem:s6], [sflag:s4] =	dma.local [hbm:s3], $0xF7A  }
0x26: {  	[smem:$0x3F9B] =	sst s1;
	(tag) =	ssettag s2;
	_ =	strace s9  }
0x27: {  	s1 =	sld [smem:$0x3FAB]  }
0x28: {  	s2 =	sld [smem:$0x3FAC]  }
0x29: {  	s4 =	sld [smem:$0x3FAE]  }
0x2a: {  	p0 =	seq.s32 s5, $0x0;
	s5 =	sld [smem:$0x3FAF]  }
0x2b: {  	s6 =	sld [smem:$0x3FB0]  }
0x2c: {  	s7 =	sld [smem:$0x3FB1]  }
0x2d: {  	s3 =	simm.s32 $0x108;
	s8 =	sld [smem:$0x3FB2]  }
0x2e: {  	s3 =	simm.s32 @!p0 $0x1082;
	s9 =	sld [smem:$0x3FB3]  }
0x2f: {  	lr =	sadd.s32 s0, s3;
	s0 =	sld [smem:$0x3FAA]  }
0x30: {  	s3 =	sld [smem:$0x3FAD]  }
0x31: {  	[smem:$0x3FB6] =	sst s10  }
0x32: {  	s10 =	sld [smem:$0x3FB4];
	_ =	sdelay $0x3  }
0x33: {  	p0 =	seq.s32 s10, $0x1;
	s10 =	sld [smem:$0x3FB6];
	_ =	sdelay $0x3  }
0x34: {  	[smem:$0x3FB6] =	sst s10  }
0x35: {  	s10 =	sld [smem:$0x3FB5];
	_ =	sdelay $0x3  }
0x36: {  	p1 =	seq.s32 s10, $0x1;
	s10 =	sld [smem:$0x3FB6];
	_ =	sdelay $0x3  }
0x37: {  	[smem:$0x3FB6] =	sst s10  }
0x38: {  	s10 =	sld [smem:$0x3FB7]  }
0x39: {  	_ = 	snop;
	(pc) =	sbr.ind lr, $3  }
0x3a: {  	_ = 	snop  }
0x3b: {  	_ = 	snop  }
0x3c: {  	p2 =	seq.s32 s10, $0x1;
	s10 =	sld [smem:$0x3FB6]  }
0x3d: {  	_ =	shalt  }
0x3e: {  	_ =	shalt  }
0x3f: {  	_ =	shalt  }
0x40: {  	_ =	shalt  }
0x41: {  	_ =	shalt  }
0x42: {  	_ =	shalt  }
0x43: {  	_ =	shalt  }
0x44: {  	_ =	shalt  }
0x45: {  	_ =	shalt  }
0x46: {  	_ =	shalt  }
0x47: {  	_ =	shalt  }
0x48: {  	_ =	shalt  }
0x49: {  	_ =	shalt  }
0x4a: {  	_ =	shalt  }
0x4b: {  	_ =	shalt  }
0x4c: {  	_ =	shalt  }
0x4d: {  	_ =	shalt  }
0x4e: {  	_ =	shalt  }
0x4f: {  	_ =	shalt  }
0x50: {  	_ =	shalt  }
0x51: {  	_ =	shalt  }
0x52: {  	_ =	shalt  }
0x53: {  	_ =	shalt  }
0x54: {  	_ =	shalt  }
0x55: {  	_ =	shalt  }
0x56: {  	_ =	shalt  }
0x57: {  	_ =	shalt  }
0x58: {  	_ =	shalt  }
0x59: {  	_ =	shalt  }
0x5a: {  	_ =	shalt  }
0x5b: {  	_ =	shalt  }
0x5c: {  	_ =	shalt  }
0x5d: {  	_ =	shalt  }
0x5e: {  	_ =	shalt  }
0x5f: {  	_ =	shalt  }
0x60: {  	_ =	shalt  }
0x61: {  	_ =	shalt  }
0x62: {  	_ =	shalt  }
0x63: {  	_ =	shalt  }
0x64: {  	_ =	shalt  }
0x65: {  	_ =	shalt  }
0x66: {  	_ =	shalt  }
0x67: {  	_ =	shalt  }
0x68: {  	_ =	shalt  }
0x69: {  	_ =	shalt  }
0x6a: {  	_ =	shalt  }
0x6b: {  	_ =	shalt  }
0x6c: {  	_ =	shalt  }
0x6d: {  	_ =	shalt  }
0x6e: {  	_ =	shalt  }
0x6f: {  	_ =	shalt  }
0x70: {  	_ =	shalt  }
0x71: {  	_ =	shalt  }
0x72: {  	_ =	shalt  }
0x73: {  	_ =	shalt  }
0x74: {  	_ =	shalt  }
0x75: {  	_ =	shalt  }
0x76: {  	_ =	shalt  }
0x77: {  	_ =	shalt  }
0x78: {  	_ =	shalt  }
0x79: {  	_ =	shalt  }
0x7a: {  	_ =	shalt  }
0x7b: {  	_ =	shalt  }
0x7c: {  	_ =	shalt  }
0x7d: {  	_ =	shalt  }
0x7e: {  	_ =	shalt  }
0x7f: {  	_ =	shalt  }
0x80: {  	_ =	shalt  }
0x81: {  	_ =	shalt  }
0x82: {  	_ =	shalt  }
0x83: {  	_ =	shalt  }
0x84: {  	_ =	shalt  }
0x85: {  	_ =	shalt  }
0x86: {  	_ =	shalt  }
0x87: {  	_ =	shalt  }
.Lfunc_end0:
.L_simem_size_0:
called_computation.2_lowered:
.L_overlay_start_0:
0x88: {  	s0 =	sld [smem:$0x3FD9]  }
0x89: {  	s1 =	sld [smem:$0x3FFE];
	_ =	sdelay $0x3  }
0x8a: {  	s0 =	sadd.s32 s1, s0  }
0x8b: {  	[smem:$0x3FC2] =	sst s0  }
0x8c: {  	_ = 	snop  }
0x8d: {  	(tm) =	ssettm $0x1  }
0x8e: {  	s15 =	sld [smem:$0x3FFB];
	_ =	sdelay $0x3  }
0x8f: {  	_ =	strace s15  }
0x90: {  	s0 =	sld [smem:$0x3FFC];
	_ =	sdelay $0x3  }
0x91: {  	_ =	strace s0  }
0x92: {  	s0 =	sld [smem:$0x3FFD];
	_ =	sdelay $0x3  }
0x93: {  	_ =	strace s0  }
0x94: {  	_ =	strace $0x8FFFFFFF  }
0x95: {  	s16 =	sld [smem:$0x3FDB];
	_ =	sdelay $0x1  }
0x96: {  	s17 =	simm.s32 $_scs_section_size  }
0x97: {  	s2 =	simm.s32 $_size__tile_overlayer_lowered;
	s3 =	simm.s32 $_tile_overlayer_lowered  }
0x98: {  	s20 =	simm.s32 $0x1BFF;
	s19 =	sshll.u32 s3, $0x1;
	s0 =	sadd.s32 s17, s16  }
0x99: {  	s4 =	simm.s32 $0x0;
	s18 =	sshll.u32 s2, $0x1;
	s2 =	sadd.s32 s19, s0  }
0x9a: {  	[timem:s4], [sflag:s20] =	dma.local [hbm:s2], s18  }
0x9b: {  	_ =	swait.ge [sflag:s20], s18  }
0x9c: {  	s1 =	ssub.s32 $0x0, s18;
	[sflag:s20] =	ssyncset.done $0x0  }
0x9d: {  	[sflag:s20] =	ssyncadd.s32 s1;
	_ =	sdelay $0x1  }
0x9e: {  	s21 =	simm.s32 $0x1B8B  }
0x9f: {  	_ =	swait.ge [sflag:s21], $0x1  }
0xa0: {  	[sflag:s21] =	ssyncset.done $0x0  }
0xa1: {  	s23 =	simm.s32 $0x1B8E;
	s22 =	sld [smem:$0x3FFE];
	[sflag:s21] =	ssyncadd.s32 $0xFFFFFFFF  }
0xa2: {  	s24 =	simm.s32 $execute0_lowered;
	[smem:$0x3FD2] =	sst s23  }
0xa3: {  	s2 =	sshll.u32 s24, $0x1;
	_ =	strace $0x80000049;
	[dreg:$0x1] =	wrdreg $0xFFFFFFFF  }
0xa4: {  	s25 =	simm.s32 $_size_execute0_lowered;
	s0 =	sadd.s32 s0, s2;
	[dreg:$0x0] =	wrdreg $0x0  }
0xa5: {  	s2 =	sshll.u32 s25, $0x1;
	[dreg:$0x2] =	wrdreg s0  }
0xa6: {  	[dreg:$0x3] =	wrdreg s2  }
0xa7: {  	[dreg:$0x4] =	wrdreg $0xC0  }
0xa8: {  	_ =	task [dreg:s4], $0x5FFFF  }
0xa9: {  	[dreg:$0x1] =	wrdreg $0xFFFFFFFF  }
0xaa: {  	[dreg:$0x0] =	wrdreg $0x60  }
0xab: {  	[dreg:$0x2] =	wrdreg s22  }
0xac: {  	[dreg:$0x3] =	wrdreg $0x9  }
0xad: {  	_ =	task.clear_ibuf [dreg:s4], $0x4FFFF;
	_ =	strace $0x90000049  }
0xae: {  	s26 =	simm.s32 $0x9;
	_ =	strace $0x8000004B  }
0xaf: {  	_ =	swait.ge [sflag:s26], $0x1  }
0xb0: {  	[sflag:s26] =	ssyncadd.s32 $0xFFFFFFFF  }
0xb1: {  	_ =	strace $0x9000004B  }
0xb2: {  	_ =	sfence  }
0xb3: {  	s28 =	sld [smem:$0x0];
	_ =	sdelay $0x1  }
0xb4: {  	s29 =	srdreg.scid  }
0xb5: {  	s30 =	sshll.u32 s29, $0xD;
	s31 =	sshrl.u32 s29, $0x2  }
0xb6: {  	s1 =	sand.u32 $0x1, s29;
	s2 =	sand.u32 $0x4000, s30;
	s0 =	sadd.s32 s31, s28  }
0xb7: {  	s1 =	sor.u32 s2, s1;
	s0 =	sshll.u32 s0, $0x11  }
0xb8: {  	s0 =	sor.u32 s0, s1  }
0xb9: {  	s0 =	sadd.s32 $0x8F2B, s0  }
0xba: {  	[sflag:s0] =	ssyncadd.remote.s32 $0x1  }
0xbb: {  	_ =	sfence.sel $0xFFFF  }
0xbc: {  	[dreg:$0x0] =	wrdreg $0xFFFFFFFF;
	(pc) =	sbr.abs _section_cstart, $3  }
0xbd: {  	[dreg:$0x1] =	wrdreg $0xFFFFFFFF  }
0xbe: {  	_ =	task.clear_ibuf [dreg:s4], $0x2FFFF;
	_ =	strace $0x9FFFFFFF  }
0xbf: {  	(tm) =	ssettm $0x7FFFFFFF  }
tec
execute0_lowered:
.L_overlay_start_1:
0x0: {  	(tag) =	ssettag $0x1  }
0x1: {  	s2 =	rddreg [dreg:$0x0]  }
0x2: {  	s0 =	rddreg [dreg:$0x1]  }
0x3: {  	s1 =	stileid.u32;
	_ =	strace $0x8000004A;
	s5 =	simm.s32 $0x1  }
0x4: {  	s6 =	simm.s32 $0x500;
	s8 =	simm.s32 $0x1;
	s9 =	simm.s32 $0x3  }
0x5: {  	s10 =	simm.s32 $0x0;
	s13 =	simm.s32 $0x0;
	s4 =	smul.u32 $0x50, s1  }
0x6: {  	s12 =	simm.s32 $0x0;
	s3 =	sadd.s32 $0xEBE00, s2;
	p0 =	slt.u32 s1, $0xA  }
.Ltmp0:
0x7: {  	s6 =	simm.s32 @!p0 $0x0;
	s7 =	ssub.s32 $0x7D0, s4;
	(pc) =	sbr.rel .LBB2_1-.Ltmp0, $4  }
0x8: {  	s8 =	simm.s32 @!p0 $0x0;
	p0 =	sne.s32 s7, s6;
	s7 =	simm.s32 $0x1  }
0x9: {  	[sflag:s5] =	ssyncpa.u1 $0x0;
	s6 =	simm.s32 $0x2;
	s7 =	simm.s32 @!p0 $0x0  }
0xa: {  	s11 =	smov.u32 s4;
	[sflag:s6] =	ssyncpa.u1 $0x0;
	s7 =	sadd.s32 s8, s7  }
0xb: {  	vm0 =	vmmov $0xffff;
	s8 =	sadd.s32 $0xEAA00, s2;
	[sflag:s9] =	ssyncpa.u1 $0x0;
	s9 =	sadd.s32 $0x1, s7  }
.LBB2_4:
0xc: {  	vm1 =	veq.s32 v4, $0x80000000;
	v56 =	vand.u32 $0x1, v4;
	v6 =	vand.u32 $0x7FFF, v6  }
0xd: {  	v2 =	vor.u32 v2, v5;
	v59 =	vshrl.u32 v1, $0x1;
	v60 =	vand.u32 $0x1, v1  }
0xe: {  	v4 =	vsel vm1, $0xFFFFFFFF, v56;
	v6 =	vsel vm1, $0xFFFFFFFF, v6;
	v2 =	vor.u32 v3, v2  }
0xf: {  	vm1 =	veq.s32 v1, $0x80000000;
	v5 =	vand.u32 $0x7FFF, v59;
	v7 =	vshrl.u32 v4, $0x1  }
0x10: {  	v57 =	vshll.u32 v6, $0x1;
	v4 =	vshll.u32 v4, $0x7;
	v1 =	vsel vm1, $0xFFFFFFFF, v60  }
0x11: {  	v5 =	vsel vm1, $0xFFFFFFFF, v5;
	v6 =	vand.u32 $0x7F, v6;
	v7 =	vmul.u32 $0x9D00, v7  }
0x12: {  	v58 =	vand.u32 $0xFFFFFF00, v57;
	v4 =	vand.u32 $0x80, v4;
	v61 =	vshrl.u32 v1, $0x1  }
0x13: {  	v62 =	vshll.u32 v5, $0x1;
	v3 =	vadd.s32 v7, v58;
	v7 =	vmul.u32 $0x9D00, v61  }
0x14: {  	v1 =	vshll.u32 v1, $0x7;
	v3 =	vor.u32 v4, v3;
	v4 =	vand.u32 $0xFFFFFF00, v62  }
0x15: {  	v1 =	vand.u32 $0x80, v1;
	v3 =	vor.u32 v6, v3;
	v4 =	vadd.s32 v7, v4  }
0x16: {  	[tilespmem:s16], [sflag:$0x1] =	stream.indirect_vreg.gather [hbm4b:s3+s10], $0x1, v0, vm0, $0x4038;
	v63 =	vand.u32 $0x7F, v5;
	v1 =	vor.u32 v1, v4;
	[tilespmem:$0x140] =	vst v63  }
0x17: {  	s15 =	sadd.s32 $0x10, s15;
	(ifvalue) =	ssetifvalue $0x7FFFFFFF;
	v0 =	vor.u32 v63, v1  }
0x18: {  	[tilespmem:s15], [sflag:$0x1] =	stream.indirect_vreg.gather [hbm4b:s3+s10], $0x1, v2, vm0, $0x4038;
	[tilespmem:$0x140] =	vst v63  }
0x19: {  	s15 =	sadd.s32 $0x10, s15;
	(ifvalue) =	ssetifvalue $0x7FFFFFFF  }
0x1a: {  	[tilespmem:s15], [sflag:$0x1] =	stream.indirect_vreg.gather [hbm4b:s3+s10], $0x1, v3, vm0, $0x4038;
	[tilespmem:$0x140] =	vst v63  }
0x1b: {  	s15 =	sadd.s32 $0x10, s15;
	(ifvalue) =	ssetifvalue $0x7FFFFFFF  }
0x1c: {  	[tilespmem:s15], [sflag:$0x1] =	stream.indirect_vreg.gather [hbm4b:s3+s10], $0x1, v0, vm0, $0x4038;
	[tilespmem:$0x140] =	vst v63  }
0x1d: {  	_ =	swait.ge [sflag:s5], $0x50  }
0x1e: {  	s30 =	sshrl.u32 s13, $0x3;
	[sflag:s5] =	ssyncset.done $0x0  }
0x1f: {  	s31 =	sand.u32 $0x7, s13;
	s15 =	sadd.s32 s8, s30;
	[sflag:s5] =	ssyncadd.s32 $0xFFFFFFB0  }
0x20: {  	[hbm4b:s15+s31] =	stream.linear.scatter [tilespmem:s14], [sflag:$0x3], $0x50, $0x38;
	[tilespmem:$0x140] =	vst v63  }
.LBB2_5:
0x21: {  	s15 =	sadd.s32 $0x500, s11  }
0x22: {  	p1 =	sgt.s32 s15, $0x7CF  }
0x23: {  	s15 =	smov.u32 @p1 s4;
	p1 =	sne.s32 s12, s9  }
.Ltmp1:
0x24: {  	p0 =	slt.u32 s12, $0x2;
	(pc) =	sbr.rel @!p1 .LBB2_6-.Ltmp1, $4  }
0x25: {  	s14 =	simm.s32 @!p0 $0x3  }
0x26: {  	_ =	swait.ge @!p0 [sflag:s14], $0x50  }
0x27: {  	s16 =	sadd.s32 $0x1, s12;
	s13 =	smov.u32 s11;
	[sflag:s14] =	ssyncset.done @!p0 $0x0  }
0x28: {  	s12 =	smov.u32 s16;
	s11 =	smov.u32 s15;
	[sflag:s14] =	ssyncadd.s32 @!p0 $0xFFFFFFB0  }
.LBB2_1:
0x29: {  	p0 =	sge.u32 s12, s7  }
0x2a: {  	s14 =	sxor.u32 @!p0 $0x1, s12  }
0x2b: {  	s14 =	smul.u32 @!p0 $0x140, s14  }
0x2c: {  	s31 =	sadd.s32 $0xFFFFFFFF, s12;
	s15 =	sshrl.u32 @!p0 s11, $0x3  }
0x2d: {  	s16 =	sand.u32 @!p0 $0x7, s11;
	s15 =	sadd.s32 @!p0 s2, s15;
	s14 =	sshra.s32 @!p0 s14, $0x2  }
0x2e: {  	[tilespmem:s14], [sflag:$0x2] =	stream.linear.gather @!p0 [hbm4b:s15+s16], $0x50, $0x38;
	[tilespmem:$0x140] =	vst v63  }
0x2f: {  	p0 =	sge.u32 s31, s7  }
.Ltmp2:
0x30: {  	_ = 	snop;
	(pc) =	sbr.rel @p0 .LBB2_5-.Ltmp2, $1  }
0x31: {  	_ =	sdelay $0x3  }
0x32: {  	s14 =	sand.u32 $0x1, s12  }
0x33: {  	_ =	swait.ge [sflag:s6], $0x50;
	p0 =	seq.s32 s14, $0x1;
	s14 =	simm.s32 $0x50  }
0x34: {  	[sflag:s6] =	ssyncset.done $0x0;
	s14 =	simm.s32 @!p0 $0x0  }
0x35: {  	[sflag:s6] =	ssyncadd.s32 $0xFFFFFFB0;
	(ifvalue) =	ssetifvalue $0x7FFFFFFF;
	v0 =	vld.msk [tilespmem:s14+$0x0 ss:$0x1], $0xffff  }
0x36: {  	s15 =	sadd.s32 $0x10, s14  }
0x37: {  	v1 =	vld.msk [tilespmem:s15+$0x0 ss:$0x1], $0xffff;
	_ =	sdelay $0x2  }
0x38: {  	v2 =	vshrl.u32 v0, $0x1  }
0x39: {  	vm1 =	veq.s32 v0, $0x80000000;
	v0 =	vand.u32 $0x1, v0;
	v2 =	vand.u32 $0x7FFF, v2  }
0x3a: {  	v0 =	vsel vm1, $0xFFFFFFFF, v0;
	v6 =	vshrl.u32 v1, $0x1;
	v2 =	vsel vm1, $0xFFFFFFFF, v2  }
0x3b: {  	v3 =	vshrl.u32 v0, $0x1;
	v0 =	vshll.u32 v0, $0x7;
	vm1 =	veq.s32 v1, $0x80000000  }
0x3c: {  	s15 =	sadd.s32 $0x10, s15;
	v1 =	vand.u32 $0x1, v1;
	v4 =	vshll.u32 v2, $0x1;
	v3 =	vmul.u32 $0x9D00, v3  }
0x3d: {  	v0 =	vand.u32 $0x80, v0;
	v7 =	vand.u32 $0x7F, v2;
	v5 =	vand.u32 $0xFFFFFF00, v4;
	v4 =	vld.msk [tilespmem:s15+$0x0 ss:$0x1], $0xffff  }
0x3e: {  	v1 =	vsel vm1, $0xFFFFFFFF, v1;
	v2 =	vadd.s32 v3, v5;
	v3 =	vand.u32 $0x7FFF, v6  }
0x3f: {  	v3 =	vsel vm1, $0xFFFFFFFF, v3;
	v0 =	vor.u32 v0, v2;
	v2 =	vshrl.u32 v1, $0x1  }
0x40: {  	v1 =	vshll.u32 v1, $0x7;
	v5 =	vshll.u32 v3, $0x1;
	v8 =	vmul.u32 $0x9D00, v2  }
0x41: {  	s18 =	simm.s32 $0x30;
	s14 =	sor.u32 $0xA0, s14;
	s17 =	sadd.s32 $0x10, s15;
	v2 =	vand.u32 $0x80, v1;
	v0 =	vor.u32 v7, v0;
	v5 =	vand.u32 $0xFFFFFF00, v5  }
0x42: {  	s16 =	smov.u32 s14;
	s15 =	smov.u32 s14;
	v1 =	vld.msk [tilespmem:s17+$0x0 ss:$0x1], $0xffff;
	v3 =	vand.u32 $0x7F, v3;
	(ifvalue) =	ssetifvalue $0x7FFFFFFF;
	v6 =	vshrl.u32 v4, $0x1;
	v5 =	vadd.s32 v8, v5  }
.LBB2_3:
0x43: {  	s18 =	sadd.s32 $0x10, s18  }
0x44: {  	vm1 =	veq.s32 v4, $0x80000000;
	v4 =	vand.u32 $0x1, v4;
	v6 =	vand.u32 $0x7FFF, v6;
	s15 =	sadd.s32 $0x10, s15;
	p0 =	slt.u32 s18, $0x40  }
.Ltmp3:
0x45: {  	v5 =	vor.u32 v2, v5;
	v4 =	vsel vm1, $0xFFFFFFFF, v4;
	v7 =	vsel vm1, $0xFFFFFFFF, v6;
	(pc) =	sbr.rel @p0 .LBB2_3-.Ltmp3, $4  }
0x46: {  	v2 =	vshrl.u32 v4, $0x1;
	v6 =	vshll.u32 v7, $0x1;
	v4 =	vshll.u32 v4, $0x7;
	[tilespmem:s16], [sflag:$0x1] =	stream.indirect_vreg.gather [hbm4b:s3+s10], $0x1, v0, vm0, $0x4038;
	[tilespmem:$0x140] =	vst v63  }
0x47: {  	v0 =	vor.u32 v3, v5;
	s16 =	smov.u32 s15;
	v8 =	vmul.u32 $0x9D00, v2;
	v2 =	vand.u32 $0x80, v4  }
0x48: {  	s17 =	sadd.s32 $0x10, s17;
	v9 =	vand.u32 $0xFFFFFF00, v6  }
0x49: {  	v3 =	vand.u32 $0x7F, v7;
	v6 =	vshrl.u32 v1, $0x1;
	v5 =	vadd.s32 v8, v9;
	(ifvalue) =	ssetifvalue $0x7FFFFFFF;
	v4 =	vmovc v1;
	v1 =	vld.msk [tilespmem:s17+$0x0 ss:$0x1], $0xffff  }
.Ltmp4:
0x4a: {  	_ = 	snop;
	(pc) =	sbr.rel .LBB2_4-.Ltmp4, $1  }
0x4b: {  	_ =	sdelay $0x3  }
.LBB2_6:
0x4c: {  	_ =	sfence.sel $0x180000  }
0x4d: {  	s2 =	simm.s32 $0x2;
	[bflag:$0x0] =	sbarrier.arrive $0xFFFF  }
0x4e: {  	s30 =	simm.s32 $0x3;
	[sflag:s2] =	ssyncpa.u1 $0x1  }
0x4f: {  	s31 =	simm.s32 $0x1;
	[sflag:s30] =	ssyncpa.u1 $0x1  }
0x50: {  	[sflag:s31] =	ssyncpa.u1 $0x1  }
0x51: {  	p0 =	sne.s32 s1, $0x0;
	_ =	strace $0x9000004A  }
0x52: {  	s0 =	sadd.s32 @!p0 $0x100000, s0;
	[bflag:$0x2] =	sbarrier.arrive $0xFFFF  }
0x53: {  	[sflag:s0] =	ssyncadd.tile.s32 @!p0 $0x1;
	_ =	shalt  }
.Lfunc_end2:
_tile_overlayer_lowered:
.L_overlay_start_2:
0x54: {  	(tag) =	ssettag $0x2  }
0x55: {  	s0 =	rddreg [dreg:$0x0];
	s2 =	stileid.u32  }
0x56: {  	s1 =	rddreg [dreg:$0x1];
	p0 =	sne.s32 s2, $0x0  }
0x57: {  	s3 =	rddreg [dreg:$0x2];
	[bflag:$0x3] =	sbarrier.arrive $0xFFFF;
	s2 =	simm.s32 @!p0 $0x1C01  }
0x58: {  	[timem:s3], [sflag:s2] =	dma.local @!p0 [hbm:s0], s1  }
0x59: {  	s0 =	simm.s32 @!p0 $0x1  }
0x5a: {  	_ =	swait.ge @!p0 [sflag:s0], s1  }
0x5b: {  	s1 =	ssub.s32 @!p0 $0x0, s1;
	[sflag:s0] =	ssyncset.done @!p0 $0x0  }
0x5c: {  	[sflag:s0] =	ssyncadd.s32 @!p0 s1  }
0x5d: {  	[bflag:$0x3] =	sbarrier.arrive $0xFFFF  }
0x5e: {  	_ =	shalt  }

// kernel: gather_offload_async_start.3
scs
__scs_entry_jumppad:
0x0: {  	(pc) =	sbr.rel $0x88, $3  }
0x1: {  	(tag) =	ssettag $0x0;
	lr =	simm.s32 $0x1  }
0x2: {  	[smem:$0x3F9B] =	sst lr;
	_ =	strace $0xD0000000  }
0x3: {  	_ = 	snop  }
0x4: {  	_ = 	snop  }
0x5: {  	_ = 	snop  }
0x6: {  	_ = 	snop  }
0x7: {  	_ = 	snop  }
__scs_overlays_trampoline_lowered:
0x8: {  	[smem:$0x3FAA] =	sst s0  }
0x9: {  	[smem:$0x3FAB] =	sst s1  }
0xa: {  	[smem:$0x3FAC] =	sst s2  }
0xb: {  	[smem:$0x3FAD] =	sst s3  }
0xc: {  	[smem:$0x3FAE] =	sst s4  }
0xd: {  	[smem:$0x3FAF] =	sst s5  }
0xe: {  	[smem:$0x3FB0] =	sst s6  }
0xf: {  	[smem:$0x3FB1] =	sst s7  }
0x10: {  	[smem:$0x3FB2] =	sst s8  }
0x11: {  	[smem:$0x3FB3] =	sst s9;
	s0 =	simm.s32 @!p0 $0x0  }
0x12: {  	s1 =	sld [smem:$0x3F99];
	s0 =	simm.s32 @p0 $0x1  }
0x13: {  	[smem:$0x3FB4] =	sst s0;
	s0 =	simm.s32 @!p1 $0x0  }
0x14: {  	s2 =	sld [smem:$0x3F98];
	s0 =	simm.s32 @p1 $0x1  }
0x15: {  	[smem:$0x3FB5] =	sst s0;
	s0 =	simm.s32 @!p2 $0x0  }
0x16: {  	s3 =	sld [smem:$0x3FDB];
	s0 =	simm.s32 @p2 $0x1  }
0x17: {  	s4 =	simm.s32 $0x1BF5;
	[smem:$0x3FB7] =	sst s0  }
0x18: {  	s0 =	sld [smem:$0x3F9A];
	_ =	swait.ge [sflag:s4], $0x0  }
0x19: {  	s7 =	sld [smem:$0x3F9B]  }
0x1a: {  	s8 =	sadd.s32 $0xFFFFE003, lr  }
0x1b: {  	s9 =	sadd.s32 $0xFFFFFEF7, lr;
	s5 =	simm.s32 $0xFFFFFFFF;
	p2 =	slt.u32 s8, $0xFFFFF086  }
0x1c: {  	p1 =	slt.u32 s9, $0xF7A;
	s5 =	simm.s32 @!p2 $0x0  }
0x1d: {  	s5 =	simm.s32 @p1 $0x1;
	p0 =	seq.s32 s7, s2  }
0x1e: {  	s7 =	smul.u32 @!p0 $0xF7A, s2;
	p2 =	seq.s32 @!p0 s5, $0x0  }
0x1f: {  	s9 =	smul.u32 $0xF7A, s1;
	s8 =	simm.s32 @!p0 $0x1BF5;
	p2 =	por !p2, p0  }
0x20: {  	[sflag:s8] =	ssyncset.s32 @!p0 $0xFFFFF086;
	s6 =	sadd.s32 @!p0 s3, s7;
	s7 =	simm.s32 @!p0 $0x108  }
0x21: {  	s3 =	sadd.s32 s3, s9;
	s6 =	sadd.s32 @!p0 $0x88, s6;
	s7 =	simm.s32 @p2 $0x1082  }
0x22: {  	[simem:s7], [sflag:s8] =	dma.local @!p0 [hbm:s6], $0xF7A  }
0x23: {  	s9 =	sor.u32 $0xD0000000, s2;
	s6 =	simm.s32 $0x108;
	_ =	swait.ge @!p0 [sflag:s8], $0x0  }
0x24: {  	s3 =	sadd.s32 $0x88, s3;
	s6 =	simm.s32 @!p1 $0x1082;
	[sflag:s4] =	ssyncset.s32 $0xFFFFF086  }
0x25: {  	[simem:s6], [sflag:s4] =	dma.local [hbm:s3], $0xF7A  }
0x26: {  	[smem:$0x3F9B] =	sst s1;
	(tag) =	ssettag s2;
	_ =	strace s9  }
0x27: {  	s1 =	sld [smem:$0x3FAB]  }
0x28: {  	s2 =	sld [smem:$0x3FAC]  }
0x29: {  	s4 =	sld [smem:$0x3FAE]  }
0x2a: {  	p0 =	seq.s32 s5, $0x0;
	s5 =	sld [smem:$0x3FAF]  }
0x2b: {  	s6 =	sld [smem:$0x3FB0]  }
0x2c: {  	s7 =	sld [smem:$0x3FB1]  }
0x2d: {  	s3 =	simm.s32 $0x108;
	s8 =	sld [smem:$0x3FB2]  }
0x2e: {  	s3 =	simm.s32 @!p0 $0x1082;
	s9 =	sld [smem:$0x3FB3]  }
0x2f: {  	lr =	sadd.s32 s0, s3;
	s0 =	sld [smem:$0x3FAA]  }
0x30: {  	s3 =	sld [smem:$0x3FAD]  }
0x31: {  	[smem:$0x3FB6] =	sst s10  }
0x32: {  	s10 =	sld [smem:$0x3FB4];
	_ =	sdelay $0x3  }
0x33: {  	p0 =	seq.s32 s10, $0x1;
	s10 =	sld [smem:$0x3FB6];
	_ =	sdelay $0x3  }
0x34: {  	[smem:$0x3FB6] =	sst s10  }
0x35: {  	s10 =	sld [smem:$0x3FB5];
	_ =	sdelay $0x3  }
0x36: {  	p1 =	seq.s32 s10, $0x1;
	s10 =	sld [smem:$0x3FB6];
	_ =	sdelay $0x3  }
0x37: {  	[smem:$0x3FB6] =	sst s10  }
0x38: {  	s10 =	sld [smem:$0x3FB7]  }
0x39: {  	_ = 	snop;
	(pc) =	sbr.ind lr, $3  }
0x3a: {  	_ = 	snop  }
0x3b: {  	_ = 	snop  }
0x3c: {  	p2 =	seq.s32 s10, $0x1;
	s10 =	sld [smem:$0x3FB6]  }
0x3d: {  	_ =	shalt  }
0x3e: {  	_ =	shalt  }
0x3f: {  	_ =	shalt  }
0x40: {  	_ =	shalt  }
0x41: {  	_ =	shalt  }
0x42: {  	_ =	shalt  }
0x43: {  	_ =	shalt  }
0x44: {  	_ =	shalt  }
0x45: {  	_ =	shalt  }
0x46: {  	_ =	shalt  }
0x47: {  	_ =	shalt  }
0x48: {  	_ =	shalt  }
0x49: {  	_ =	shalt  }
0x4a: {  	_ =	shalt  }
0x4b: {  	_ =	shalt  }
0x4c: {  	_ =	shalt  }
0x4d: {  	_ =	shalt  }
0x4e: {  	_ =	shalt  }
0x4f: {  	_ =	shalt  }
0x50: {  	_ =	shalt  }
0x51: {  	_ =	shalt  }
0x52: {  	_ =	shalt  }
0x53: {  	_ =	shalt  }
0x54: {  	_ =	shalt  }
0x55: {  	_ =	shalt  }
0x56: {  	_ =	shalt  }
0x57: {  	_ =	shalt  }
0x58: {  	_ =	shalt  }
0x59: {  	_ =	shalt  }
0x5a: {  	_ =	shalt  }
0x5b: {  	_ =	shalt  }
0x5c: {  	_ =	shalt  }
0x5d: {  	_ =	shalt  }
0x5e: {  	_ =	shalt  }
0x5f: {  	_ =	shalt  }
0x60: {  	_ =	shalt  }
0x61: {  	_ =	shalt  }
0x62: {  	_ =	shalt  }
0x63: {  	_ =	shalt  }
0x64: {  	_ =	shalt  }
0x65: {  	_ =	shalt  }
0x66: {  	_ =	shalt  }
0x67: {  	_ =	shalt  }
0x68: {  	_ =	shalt  }
0x69: {  	_ =	shalt  }
0x6a: {  	_ =	shalt  }
0x6b: {  	_ =	shalt  }
0x6c: {  	_ =	shalt  }
0x6d: {  	_ =	shalt  }
0x6e: {  	_ =	shalt  }
0x6f: {  	_ =	shalt  }
0x70: {  	_ =	shalt  }
0x71: {  	_ =	shalt  }
0x72: {  	_ =	shalt  }
0x73: {  	_ =	shalt  }
0x74: {  	_ =	shalt  }
0x75: {  	_ =	shalt  }
0x76: {  	_ =	shalt  }
0x77: {  	_ =	shalt  }
0x78: {  	_ =	shalt  }
0x79: {  	_ =	shalt  }
0x7a: {  	_ =	shalt  }
0x7b: {  	_ =	shalt  }
0x7c: {  	_ =	shalt  }
0x7d: {  	_ =	shalt  }
0x7e: {  	_ =	shalt  }
0x7f: {  	_ =	shalt  }
0x80: {  	_ =	shalt  }
0x81: {  	_ =	shalt  }
0x82: {  	_ =	shalt  }
0x83: {  	_ =	shalt  }
0x84: {  	_ =	shalt  }
0x85: {  	_ =	shalt  }
0x86: {  	_ =	shalt  }
0x87: {  	_ =	shalt  }
.Lfunc_end0:
.L_simem_size_0:
called_computation.3_lowered:
.L_overlay_start_0:
0x88: {  	s0 =	sld [smem:$0x3FD9]  }
0x89: {  	s1 =	sld [smem:$0x3FFE];
	_ =	sdelay $0x3  }
0x8a: {  	s0 =	sadd.s32 s1, s0  }
0x8b: {  	[smem:$0x3FC2] =	sst s0  }
0x8c: {  	_ = 	snop  }
0x8d: {  	(tm) =	ssettm $0x1  }
0x8e: {  	s15 =	sld [smem:$0x3FFB];
	_ =	sdelay $0x3  }
0x8f: {  	_ =	strace s15  }
0x90: {  	s0 =	sld [smem:$0x3FFC];
	_ =	sdelay $0x3  }
0x91: {  	_ =	strace s0  }
0x92: {  	s0 =	sld [smem:$0x3FFD];
	_ =	sdelay $0x3  }
0x93: {  	_ =	strace s0  }
0x94: {  	_ =	strace $0x8FFFFFFF  }
0x95: {  	s16 =	sld [smem:$0x3FDB];
	_ =	sdelay $0x1  }
0x96: {  	s17 =	simm.s32 $_scs_section_size  }
0x97: {  	s2 =	simm.s32 $_size__tile_overlayer_lowered;
	s3 =	simm.s32 $_tile_overlayer_lowered  }
0x98: {  	s20 =	simm.s32 $0x1BFF;
	s19 =	sshll.u32 s3, $0x1;
	s0 =	sadd.s32 s17, s16  }
0x99: {  	s4 =	simm.s32 $0x0;
	s18 =	sshll.u32 s2, $0x1;
	s2 =	sadd.s32 s19, s0  }
0x9a: {  	[timem:s4], [sflag:s20] =	dma.local [hbm:s2], s18  }
0x9b: {  	_ =	swait.ge [sflag:s20], s18  }
0x9c: {  	s1 =	ssub.s32 $0x0, s18;
	[sflag:s20] =	ssyncset.done $0x0  }
0x9d: {  	[sflag:s20] =	ssyncadd.s32 s1;
	_ =	sdelay $0x1  }
0x9e: {  	s21 =	simm.s32 $0x1B8B  }
0x9f: {  	_ =	swait.ge [sflag:s21], $0x1  }
0xa0: {  	[sflag:s21] =	ssyncset.done $0x0  }
0xa1: {  	s23 =	simm.s32 $0x1B8E;
	s22 =	sld [smem:$0x3FFE];
	[sflag:s21] =	ssyncadd.s32 $0xFFFFFFFF  }
0xa2: {  	s24 =	simm.s32 $execute0_lowered;
	[smem:$0x3FD2] =	sst s23  }
0xa3: {  	s2 =	sshll.u32 s24, $0x1;
	_ =	strace $0x80000046;
	[dreg:$0x1] =	wrdreg $0xFFFFFFFF  }
0xa4: {  	s25 =	simm.s32 $_size_execute0_lowered;
	s0 =	sadd.s32 s0, s2;
	[dreg:$0x0] =	wrdreg $0x0  }
0xa5: {  	s2 =	sshll.u32 s25, $0x1;
	[dreg:$0x2] =	wrdreg s0  }
0xa6: {  	[dreg:$0x3] =	wrdreg s2  }
0xa7: {  	[dreg:$0x4] =	wrdreg $0xC0  }
0xa8: {  	_ =	task [dreg:s4], $0x5FFFF  }
0xa9: {  	[dreg:$0x1] =	wrdreg $0xFFFFFFFF  }
0xaa: {  	[dreg:$0x0] =	wrdreg $0x60  }
0xab: {  	[dreg:$0x2] =	wrdreg s22  }
0xac: {  	[dreg:$0x3] =	wrdreg $0x9  }
0xad: {  	_ =	task.clear_ibuf [dreg:s4], $0x4FFFF;
	_ =	strace $0x90000046  }
0xae: {  	s26 =	simm.s32 $0x9;
	_ =	strace $0x80000048  }
0xaf: {  	_ =	swait.ge [sflag:s26], $0x1  }
0xb0: {  	[sflag:s26] =	ssyncadd.s32 $0xFFFFFFFF  }
0xb1: {  	_ =	strace $0x90000048  }
0xb2: {  	_ =	sfence  }
0xb3: {  	s28 =	sld [smem:$0x0];
	_ =	sdelay $0x1  }
0xb4: {  	s29 =	srdreg.scid  }
0xb5: {  	s30 =	sshll.u32 s29, $0xD;
	s31 =	sshrl.u32 s29, $0x2  }
0xb6: {  	s1 =	sand.u32 $0x1, s29;
	s2 =	sand.u32 $0x4000, s30;
	s0 =	sadd.s32 s31, s28  }
0xb7: {  	s1 =	sor.u32 s2, s1;
	s0 =	sshll.u32 s0, $0x11  }
0xb8: {  	s0 =	sor.u32 s0, s1  }
0xb9: {  	s0 =	sadd.s32 $0x8F2B, s0  }
0xba: {  	[sflag:s0] =	ssyncadd.remote.s32 $0x1  }
0xbb: {  	_ =	sfence.sel $0xFFFF  }
0xbc: {  	[dreg:$0x0] =	wrdreg $0xFFFFFFFF;
	(pc) =	sbr.abs _section_cstart, $3  }
0xbd: {  	[dreg:$0x1] =	wrdreg $0xFFFFFFFF  }
0xbe: {  	_ =	task.clear_ibuf [dreg:s4], $0x2FFFF;
	_ =	strace $0x9FFFFFFF  }
0xbf: {  	(tm) =	ssettm $0x7FFFFFFF  }
tec
execute0_lowered:
.L_overlay_start_1:
0x0: {  	(tag) =	ssettag $0x1  }
0x1: {  	s2 =	rddreg [dreg:$0x0]  }
0x2: {  	s0 =	rddreg [dreg:$0x1]  }
0x3: {  	s1 =	stileid.u32;
	_ =	strace $0x80000047;
	s5 =	simm.s32 $0x1  }
0x4: {  	s6 =	simm.s32 $0x500;
	s8 =	simm.s32 $0x1;
	s9 =	simm.s32 $0x3  }
0x5: {  	s10 =	simm.s32 $0x0;
	s13 =	simm.s32 $0x0;
	s4 =	smul.u32 $0x50, s1  }
0x6: {  	s12 =	simm.s32 $0x0;
	s3 =	sadd.s32 $0xEAA00, s2;
	p0 =	slt.u32 s1, $0xA  }
.Ltmp0:
0x7: {  	s6 =	simm.s32 @!p0 $0x0;
	s7 =	ssub.s32 $0x7D0, s4;
	(pc) =	sbr.rel .LBB2_1-.Ltmp0, $4  }
0x8: {  	s8 =	simm.s32 @!p0 $0x0;
	p0 =	sne.s32 s7, s6;
	s7 =	simm.s32 $0x1  }
0x9: {  	[sflag:s5] =	ssyncpa.u1 $0x0;
	s6 =	simm.s32 $0x2;
	s7 =	simm.s32 @!p0 $0x0  }
0xa: {  	s11 =	smov.u32 s4;
	[sflag:s6] =	ssyncpa.u1 $0x0;
	s7 =	sadd.s32 s8, s7  }
0xb: {  	vm0 =	vmmov $0xffff;
	s8 =	sadd.s32 $0xED200, s2;
	[sflag:s9] =	ssyncpa.u1 $0x0;
	s9 =	sadd.s32 $0x1, s7  }
.LBB2_4:
0xc: {  	vm1 =	veq.s32 v4, $0x80000000;
	v56 =	vand.u32 $0x1, v4;
	v6 =	vand.u32 $0x7FFF, v6  }
0xd: {  	v2 =	vor.u32 v2, v5;
	v59 =	vshrl.u32 v1, $0x1;
	v60 =	vand.u32 $0x1, v1  }
0xe: {  	v4 =	vsel vm1, $0xFFFFFFFF, v56;
	v6 =	vsel vm1, $0xFFFFFFFF, v6;
	v2 =	vor.u32 v3, v2  }
0xf: {  	vm1 =	veq.s32 v1, $0x80000000;
	v5 =	vand.u32 $0x7FFF, v59;
	v7 =	vshrl.u32 v4, $0x1  }
0x10: {  	v57 =	vshll.u32 v6, $0x1;
	v4 =	vshll.u32 v4, $0x7;
	v1 =	vsel vm1, $0xFFFFFFFF, v60  }
0x11: {  	v5 =	vsel vm1, $0xFFFFFFFF, v5;
	v6 =	vand.u32 $0x7F, v6;
	v7 =	vmul.u32 $0x9D00, v7  }
0x12: {  	v58 =	vand.u32 $0xFFFFFF00, v57;
	v4 =	vand.u32 $0x80, v4;
	v61 =	vshrl.u32 v1, $0x1  }
0x13: {  	v62 =	vshll.u32 v5, $0x1;
	v3 =	vadd.s32 v7, v58;
	v7 =	vmul.u32 $0x9D00, v61  }
0x14: {  	v1 =	vshll.u32 v1, $0x7;
	v3 =	vor.u32 v4, v3;
	v4 =	vand.u32 $0xFFFFFF00, v62  }
0x15: {  	v1 =	vand.u32 $0x80, v1;
	v3 =	vor.u32 v6, v3;
	v4 =	vadd.s32 v7, v4  }
0x16: {  	[tilespmem:s16], [sflag:$0x1] =	stream.indirect_vreg.gather [hbm4b:s3+s10], $0x1, v0, vm0, $0x4038;
	v63 =	vand.u32 $0x7F, v5;
	v1 =	vor.u32 v1, v4;
	[tilespmem:$0x140] =	vst v63  }
0x17: {  	s15 =	sadd.s32 $0x10, s15;
	(ifvalue) =	ssetifvalue $0x7FFFFFFF;
	v0 =	vor.u32 v63, v1  }
0x18: {  	[tilespmem:s15], [sflag:$0x1] =	stream.indirect_vreg.gather [hbm4b:s3+s10], $0x1, v2, vm0, $0x4038;
	[tilespmem:$0x140] =	vst v63  }
0x19: {  	s15 =	sadd.s32 $0x10, s15;
	(ifvalue) =	ssetifvalue $0x7FFFFFFF  }
0x1a: {  	[tilespmem:s15], [sflag:$0x1] =	stream.indirect_vreg.gather [hbm4b:s3+s10], $0x1, v3, vm0, $0x4038;
	[tilespmem:$0x140] =	vst v63  }
0x1b: {  	s15 =	sadd.s32 $0x10, s15;
	(ifvalue) =	ssetifvalue $0x7FFFFFFF  }
0x1c: {  	[tilespmem:s15], [sflag:$0x1] =	stream.indirect_vreg.gather [hbm4b:s3+s10], $0x1, v0, vm0, $0x4038;
	[tilespmem:$0x140] =	vst v63  }
0x1d: {  	_ =	swait.ge [sflag:s5], $0x50  }
0x1e: {  	s30 =	sshrl.u32 s13, $0x3;
	[sflag:s5] =	ssyncset.done $0x0  }
0x1f: {  	s31 =	sand.u32 $0x7, s13;
	s15 =	sadd.s32 s8, s30;
	[sflag:s5] =	ssyncadd.s32 $0xFFFFFFB0  }
0x20: {  	[hbm4b:s15+s31] =	stream.linear.scatter [tilespmem:s14], [sflag:$0x3], $0x50, $0x38;
	[tilespmem:$0x140] =	vst v63  }
.LBB2_5:
0x21: {  	s15 =	sadd.s32 $0x500, s11  }
0x22: {  	p1 =	sgt.s32 s15, $0x7CF  }
0x23: {  	s15 =	smov.u32 @p1 s4;
	p1 =	sne.s32 s12, s9  }
.Ltmp1:
0x24: {  	p0 =	slt.u32 s12, $0x2;
	(pc) =	sbr.rel @!p1 .LBB2_6-.Ltmp1, $4  }
0x25: {  	s14 =	simm.s32 @!p0 $0x3  }
0x26: {  	_ =	swait.ge @!p0 [sflag:s14], $0x50  }
0x27: {  	s16 =	sadd.s32 $0x1, s12;
	s13 =	smov.u32 s11;
	[sflag:s14] =	ssyncset.done @!p0 $0x0  }
0x28: {  	s12 =	smov.u32 s16;
	s11 =	smov.u32 s15;
	[sflag:s14] =	ssyncadd.s32 @!p0 $0xFFFFFFB0  }
.LBB2_1:
0x29: {  	p0 =	sge.u32 s12, s7  }
0x2a: {  	s14 =	sxor.u32 @!p0 $0x1, s12  }
0x2b: {  	s14 =	smul.u32 @!p0 $0x140, s14  }
0x2c: {  	s31 =	sadd.s32 $0xFFFFFFFF, s12;
	s15 =	sshrl.u32 @!p0 s11, $0x3  }
0x2d: {  	s16 =	sand.u32 @!p0 $0x7, s11;
	s15 =	sadd.s32 @!p0 s2, s15;
	s14 =	sshra.s32 @!p0 s14, $0x2  }
0x2e: {  	[tilespmem:s14], [sflag:$0x2] =	stream.linear.gather @!p0 [hbm4b:s15+s16], $0x50, $0x38;
	[tilespmem:$0x140] =	vst v63  }
0x2f: {  	p0 =	sge.u32 s31, s7  }
.Ltmp2:
0x30: {  	_ = 	snop;
	(pc) =	sbr.rel @p0 .LBB2_5-.Ltmp2, $1  }
0x31: {  	_ =	sdelay $0x3  }
0x32: {  	s14 =	sand.u32 $0x1, s12  }
0x33: {  	_ =	swait.ge [sflag:s6], $0x50;
	p0 =	seq.s32 s14, $0x1;
	s14 =	simm.s32 $0x50  }
0x34: {  	[sflag:s6] =	ssyncset.done $0x0;
	s14 =	simm.s32 @!p0 $0x0  }
0x35: {  	[sflag:s6] =	ssyncadd.s32 $0xFFFFFFB0;
	(ifvalue) =	ssetifvalue $0x7FFFFFFF;
	v0 =	vld.msk [tilespmem:s14+$0x0 ss:$0x1], $0xffff  }
0x36: {  	s15 =	sadd.s32 $0x10, s14  }
0x37: {  	v1 =	vld.msk [tilespmem:s15+$0x0 ss:$0x1], $0xffff;
	_ =	sdelay $0x2  }
0x38: {  	v2 =	vshrl.u32 v0, $0x1  }
0x39: {  	vm1 =	veq.s32 v0, $0x80000000;
	v0 =	vand.u32 $0x1, v0;
	v2 =	vand.u32 $0x7FFF, v2  }
0x3a: {  	v0 =	vsel vm1, $0xFFFFFFFF, v0;
	v6 =	vshrl.u32 v1, $0x1;
	v2 =	vsel vm1, $0xFFFFFFFF, v2  }
0x3b: {  	v3 =	vshrl.u32 v0, $0x1;
	v0 =	vshll.u32 v0, $0x7;
	vm1 =	veq.s32 v1, $0x80000000  }
0x3c: {  	s15 =	sadd.s32 $0x10, s15;
	v1 =	vand.u32 $0x1, v1;
	v4 =	vshll.u32 v2, $0x1;
	v3 =	vmul.u32 $0x9D00, v3  }
0x3d: {  	v0 =	vand.u32 $0x80, v0;
	v7 =	vand.u32 $0x7F, v2;
	v5 =	vand.u32 $0xFFFFFF00, v4;
	v4 =	vld.msk [tilespmem:s15+$0x0 ss:$0x1], $0xffff  }
0x3e: {  	v1 =	vsel vm1, $0xFFFFFFFF, v1;
	v2 =	vadd.s32 v3, v5;
	v3 =	vand.u32 $0x7FFF, v6  }
0x3f: {  	v3 =	vsel vm1, $0xFFFFFFFF, v3;
	v0 =	vor.u32 v0, v2;
	v2 =	vshrl.u32 v1, $0x1  }
0x40: {  	v1 =	vshll.u32 v1, $0x7;
	v5 =	vshll.u32 v3, $0x1;
	v8 =	vmul.u32 $0x9D00, v2  }
0x41: {  	s18 =	simm.s32 $0x30;
	s14 =	sor.u32 $0xA0, s14;
	s17 =	sadd.s32 $0x10, s15;
	v2 =	vand.u32 $0x80, v1;
	v0 =	vor.u32 v7, v0;
	v5 =	vand.u32 $0xFFFFFF00, v5  }
0x42: {  	s16 =	smov.u32 s14;
	s15 =	smov.u32 s14;
	v1 =	vld.msk [tilespmem:s17+$0x0 ss:$0x1], $0xffff;
	v3 =	vand.u32 $0x7F, v3;
	(ifvalue) =	ssetifvalue $0x7FFFFFFF;
	v6 =	vshrl.u32 v4, $0x1;
	v5 =	vadd.s32 v8, v5  }
.LBB2_3:
0x43: {  	s18 =	sadd.s32 $0x10, s18  }
0x44: {  	vm1 =	veq.s32 v4, $0x80000000;
	v4 =	vand.u32 $0x1, v4;
	v6 =	vand.u32 $0x7FFF, v6;
	s15 =	sadd.s32 $0x10, s15;
	p0 =	slt.u32 s18, $0x40  }
.Ltmp3:
0x45: {  	v5 =	vor.u32 v2, v5;
	v4 =	vsel vm1, $0xFFFFFFFF, v4;
	v7 =	vsel vm1, $0xFFFFFFFF, v6;
	(pc) =	sbr.rel @p0 .LBB2_3-.Ltmp3, $4  }
0x46: {  	v2 =	vshrl.u32 v4, $0x1;
	v6 =	vshll.u32 v7, $0x1;
	v4 =	vshll.u32 v4, $0x7;
	[tilespmem:s16], [sflag:$0x1] =	stream.indirect_vreg.gather [hbm4b:s3+s10], $0x1, v0, vm0, $0x4038;
	[tilespmem:$0x140] =	vst v63  }
0x47: {  	v0 =	vor.u32 v3, v5;
	s16 =	smov.u32 s15;
	v8 =	vmul.u32 $0x9D00, v2;
	v2 =	vand.u32 $0x80, v4  }
0x48: {  	s17 =	sadd.s32 $0x10, s17;
	v9 =	vand.u32 $0xFFFFFF00, v6  }
0x49: {  	v3 =	vand.u32 $0x7F, v7;
	v6 =	vshrl.u32 v1, $0x1;
	v5 =	vadd.s32 v8, v9;
	(ifvalue) =	ssetifvalue $0x7FFFFFFF;
	v4 =	vmovc v1;
	v1 =	vld.msk [tilespmem:s17+$0x0 ss:$0x1], $0xffff  }
.Ltmp4:
0x4a: {  	_ = 	snop;
	(pc) =	sbr.rel .LBB2_4-.Ltmp4, $1  }
0x4b: {  	_ =	sdelay $0x3  }
.LBB2_6:
0x4c: {  	_ =	sfence.sel $0x180000  }
0x4d: {  	s2 =	simm.s32 $0x2;
	[bflag:$0x0] =	sbarrier.arrive $0xFFFF  }
0x4e: {  	s30 =	simm.s32 $0x3;
	[sflag:s2] =	ssyncpa.u1 $0x1  }
0x4f: {  	s31 =	simm.s32 $0x1;
	[sflag:s30] =	ssyncpa.u1 $0x1  }
0x50: {  	[sflag:s31] =	ssyncpa.u1 $0x1  }
0x51: {  	p0 =	sne.s32 s1, $0x0;
	_ =	strace $0x90000047  }
0x52: {  	s0 =	sadd.s32 @!p0 $0x100000, s0;
	[bflag:$0x2] =	sbarrier.arrive $0xFFFF  }
0x53: {  	[sflag:s0] =	ssyncadd.tile.s32 @!p0 $0x1;
	_ =	shalt  }
.Lfunc_end2:
_tile_overlayer_lowered:
.L_overlay_start_2:
0x54: {  	(tag) =	ssettag $0x2  }
0x55: {  	s0 =	rddreg [dreg:$0x0];
	s2 =	stileid.u32  }
0x56: {  	s1 =	rddreg [dreg:$0x1];
	p0 =	sne.s32 s2, $0x0  }
0x57: {  	s3 =	rddreg [dreg:$0x2];
	[bflag:$0x3] =	sbarrier.arrive $0xFFFF;
	s2 =	simm.s32 @!p0 $0x1C01  }
0x58: {  	[timem:s3], [sflag:s2] =	dma.local @!p0 [hbm:s0], s1  }
0x59: {  	s0 =	simm.s32 @!p0 $0x1  }
0x5a: {  	_ =	swait.ge @!p0 [sflag:s0], s1  }
0x5b: {  	s1 =	ssub.s32 @!p0 $0x0, s1;
	[sflag:s0] =	ssyncset.done @!p0 $0x0  }
0x5c: {  	[sflag:s0] =	ssyncadd.s32 @!p0 s1  }
0x5d: {  	[bflag:$0x3] =	sbarrier.arrive $0xFFFF  }
0x5e: {  	_ =	shalt  }

// kernel: gather_offload_async_start
scs
__scs_entry_jumppad:
0x0: {  	(pc) =	sbr.rel $0x88, $3  }
0x1: {  	(tag) =	ssettag $0x0;
	lr =	simm.s32 $0x1  }
0x2: {  	[smem:$0x3F9B] =	sst lr;
	_ =	strace $0xD0000000  }
0x3: {  	_ = 	snop  }
0x4: {  	_ = 	snop  }
0x5: {  	_ = 	snop  }
0x6: {  	_ = 	snop  }
0x7: {  	_ = 	snop  }
__scs_overlays_trampoline_lowered:
0x8: {  	[smem:$0x3FAA] =	sst s0  }
0x9: {  	[smem:$0x3FAB] =	sst s1  }
0xa: {  	[smem:$0x3FAC] =	sst s2  }
0xb: {  	[smem:$0x3FAD] =	sst s3  }
0xc: {  	[smem:$0x3FAE] =	sst s4  }
0xd: {  	[smem:$0x3FAF] =	sst s5  }
0xe: {  	[smem:$0x3FB0] =	sst s6  }
0xf: {  	[smem:$0x3FB1] =	sst s7  }
0x10: {  	[smem:$0x3FB2] =	sst s8  }
0x11: {  	[smem:$0x3FB3] =	sst s9;
	s0 =	simm.s32 @!p0 $0x0  }
0x12: {  	s1 =	sld [smem:$0x3F99];
	s0 =	simm.s32 @p0 $0x1  }
0x13: {  	[smem:$0x3FB4] =	sst s0;
	s0 =	simm.s32 @!p1 $0x0  }
0x14: {  	s2 =	sld [smem:$0x3F98];
	s0 =	simm.s32 @p1 $0x1  }
0x15: {  	[smem:$0x3FB5] =	sst s0;
	s0 =	simm.s32 @!p2 $0x0  }
0x16: {  	s3 =	sld [smem:$0x3FDB];
	s0 =	simm.s32 @p2 $0x1  }
0x17: {  	s4 =	simm.s32 $0x1BF5;
	[smem:$0x3FB7] =	sst s0  }
0x18: {  	s0 =	sld [smem:$0x3F9A];
	_ =	swait.ge [sflag:s4], $0x0  }
0x19: {  	s7 =	sld [smem:$0x3F9B]  }
0x1a: {  	s8 =	sadd.s32 $0xFFFFE003, lr  }
0x1b: {  	s9 =	sadd.s32 $0xFFFFFEF7, lr;
	s5 =	simm.s32 $0xFFFFFFFF;
	p2 =	slt.u32 s8, $0xFFFFF086  }
0x1c: {  	p1 =	slt.u32 s9, $0xF7A;
	s5 =	simm.s32 @!p2 $0x0  }
0x1d: {  	s5 =	simm.s32 @p1 $0x1;
	p0 =	seq.s32 s7, s2  }
0x1e: {  	s7 =	smul.u32 @!p0 $0xF7A, s2;
	p2 =	seq.s32 @!p0 s5, $0x0  }
0x1f: {  	s9 =	smul.u32 $0xF7A, s1;
	s8 =	simm.s32 @!p0 $0x1BF5;
	p2 =	por !p2, p0  }
0x20: {  	[sflag:s8] =	ssyncset.s32 @!p0 $0xFFFFF086;
	s6 =	sadd.s32 @!p0 s3, s7;
	s7 =	simm.s32 @!p0 $0x108  }
0x21: {  	s3 =	sadd.s32 s3, s9;
	s6 =	sadd.s32 @!p0 $0x88, s6;
	s7 =	simm.s32 @p2 $0x1082  }
0x22: {  	[simem:s7], [sflag:s8] =	dma.local @!p0 [hbm:s6], $0xF7A  }
0x23: {  	s9 =	sor.u32 $0xD0000000, s2;
	s6 =	simm.s32 $0x108;
	_ =	swait.ge @!p0 [sflag:s8], $0x0  }
0x24: {  	s3 =	sadd.s32 $0x88, s3;
	s6 =	simm.s32 @!p1 $0x1082;
	[sflag:s4] =	ssyncset.s32 $0xFFFFF086  }
0x25: {  	[simem:s6], [sflag:s4] =	dma.local [hbm:s3], $0xF7A  }
0x26: {  	[smem:$0x3F9B] =	sst s1;
	(tag) =	ssettag s2;
	_ =	strace s9  }
0x27: {  	s1 =	sld [smem:$0x3FAB]  }
0x28: {  	s2 =	sld [smem:$0x3FAC]  }
0x29: {  	s4 =	sld [smem:$0x3FAE]  }
0x2a: {  	p0 =	seq.s32 s5, $0x0;
	s5 =	sld [smem:$0x3FAF]  }
0x2b: {  	s6 =	sld [smem:$0x3FB0]  }
0x2c: {  	s7 =	sld [smem:$0x3FB1]  }
0x2d: {  	s3 =	simm.s32 $0x108;
	s8 =	sld [smem:$0x3FB2]  }
0x2e: {  	s3 =	simm.s32 @!p0 $0x1082;
	s9 =	sld [smem:$0x3FB3]  }
0x2f: {  	lr =	sadd.s32 s0, s3;
	s0 =	sld [smem:$0x3FAA]  }
0x30: {  	s3 =	sld [smem:$0x3FAD]  }
0x31: {  	[smem:$0x3FB6] =	sst s10  }
0x32: {  	s10 =	sld [smem:$0x3FB4];
	_ =	sdelay $0x3  }
0x33: {  	p0 =	seq.s32 s10, $0x1;
	s10 =	sld [smem:$0x3FB6];
	_ =	sdelay $0x3  }
0x34: {  	[smem:$0x3FB6] =	sst s10  }
0x35: {  	s10 =	sld [smem:$0x3FB5];
	_ =	sdelay $0x3  }
0x36: {  	p1 =	seq.s32 s10, $0x1;
	s10 =	sld [smem:$0x3FB6];
	_ =	sdelay $0x3  }
0x37: {  	[smem:$0x3FB6] =	sst s10  }
0x38: {  	s10 =	sld [smem:$0x3FB7]  }
0x39: {  	_ = 	snop;
	(pc) =	sbr.ind lr, $3  }
0x3a: {  	_ = 	snop  }
0x3b: {  	_ = 	snop  }
0x3c: {  	p2 =	seq.s32 s10, $0x1;
	s10 =	sld [smem:$0x3FB6]  }
0x3d: {  	_ =	shalt  }
0x3e: {  	_ =	shalt  }
0x3f: {  	_ =	shalt  }
0x40: {  	_ =	shalt  }
0x41: {  	_ =	shalt  }
0x42: {  	_ =	shalt  }
0x43: {  	_ =	shalt  }
0x44: {  	_ =	shalt  }
0x45: {  	_ =	shalt  }
0x46: {  	_ =	shalt  }
0x47: {  	_ =	shalt  }
0x48: {  	_ =	shalt  }
0x49: {  	_ =	shalt  }
0x4a: {  	_ =	shalt  }
0x4b: {  	_ =	shalt  }
0x4c: {  	_ =	shalt  }
0x4d: {  	_ =	shalt  }
0x4e: {  	_ =	shalt  }
0x4f: {  	_ =	shalt  }
0x50: {  	_ =	shalt  }
0x51: {  	_ =	shalt  }
0x52: {  	_ =	shalt  }
0x53: {  	_ =	shalt  }
0x54: {  	_ =	shalt  }
0x55: {  	_ =	shalt  }
0x56: {  	_ =	shalt  }
0x57: {  	_ =	shalt  }
0x58: {  	_ =	shalt  }
0x59: {  	_ =	shalt  }
0x5a: {  	_ =	shalt  }
0x5b: {  	_ =	shalt  }
0x5c: {  	_ =	shalt  }
0x5d: {  	_ =	shalt  }
0x5e: {  	_ =	shalt  }
0x5f: {  	_ =	shalt  }
0x60: {  	_ =	shalt  }
0x61: {  	_ =	shalt  }
0x62: {  	_ =	shalt  }
0x63: {  	_ =	shalt  }
0x64: {  	_ =	shalt  }
0x65: {  	_ =	shalt  }
0x66: {  	_ =	shalt  }
0x67: {  	_ =	shalt  }
0x68: {  	_ =	shalt  }
0x69: {  	_ =	shalt  }
0x6a: {  	_ =	shalt  }
0x6b: {  	_ =	shalt  }
0x6c: {  	_ =	shalt  }
0x6d: {  	_ =	shalt  }
0x6e: {  	_ =	shalt  }
0x6f: {  	_ =	shalt  }
0x70: {  	_ =	shalt  }
0x71: {  	_ =	shalt  }
0x72: {  	_ =	shalt  }
0x73: {  	_ =	shalt  }
0x74: {  	_ =	shalt  }
0x75: {  	_ =	shalt  }
0x76: {  	_ =	shalt  }
0x77: {  	_ =	shalt  }
0x78: {  	_ =	shalt  }
0x79: {  	_ =	shalt  }
0x7a: {  	_ =	shalt  }
0x7b: {  	_ =	shalt  }
0x7c: {  	_ =	shalt  }
0x7d: {  	_ =	shalt  }
0x7e: {  	_ =	shalt  }
0x7f: {  	_ =	shalt  }
0x80: {  	_ =	shalt  }
0x81: {  	_ =	shalt  }
0x82: {  	_ =	shalt  }
0x83: {  	_ =	shalt  }
0x84: {  	_ =	shalt  }
0x85: {  	_ =	shalt  }
0x86: {  	_ =	shalt  }
0x87: {  	_ =	shalt  }
.Lfunc_end0:
.L_simem_size_0:
called_computation_lowered:
.L_overlay_start_0:
0x88: {  	s0 =	sld [smem:$0x3FD9]  }
0x89: {  	s1 =	sld [smem:$0x3FFE];
	_ =	sdelay $0x3  }
0x8a: {  	s0 =	sadd.s32 s1, s0  }
0x8b: {  	[smem:$0x3FC2] =	sst s0  }
0x8c: {  	_ = 	snop  }
0x8d: {  	(tm) =	ssettm $0x1  }
0x8e: {  	s15 =	sld [smem:$0x3FFB];
	_ =	sdelay $0x3  }
0x8f: {  	_ =	strace s15  }
0x90: {  	s0 =	sld [smem:$0x3FFC];
	_ =	sdelay $0x3  }
0x91: {  	_ =	strace s0  }
0x92: {  	s0 =	sld [smem:$0x3FFD];
	_ =	sdelay $0x3  }
0x93: {  	_ =	strace s0  }
0x94: {  	_ =	strace $0x8FFFFFFF  }
0x95: {  	s16 =	sld [smem:$0x3FDB];
	_ =	sdelay $0x1  }
0x96: {  	s17 =	simm.s32 $_scs_section_size  }
0x97: {  	s2 =	simm.s32 $_size__tile_overlayer_lowered;
	s3 =	simm.s32 $_tile_overlayer_lowered  }
0x98: {  	s20 =	simm.s32 $0x1BFF;
	s19 =	sshll.u32 s3, $0x1;
	s0 =	sadd.s32 s17, s16  }
0x99: {  	s4 =	simm.s32 $0x0;
	s18 =	sshll.u32 s2, $0x1;
	s2 =	sadd.s32 s19, s0  }
0x9a: {  	[timem:s4], [sflag:s20] =	dma.local [hbm:s2], s18  }
0x9b: {  	_ =	swait.ge [sflag:s20], s18  }
0x9c: {  	s1 =	ssub.s32 $0x0, s18;
	[sflag:s20] =	ssyncset.done $0x0  }
0x9d: {  	[sflag:s20] =	ssyncadd.s32 s1;
	_ =	sdelay $0x1  }
0x9e: {  	s21 =	simm.s32 $0x1B8B  }
0x9f: {  	_ =	swait.ge [sflag:s21], $0x1  }
0xa0: {  	[sflag:s21] =	ssyncset.done $0x0  }
0xa1: {  	s23 =	simm.s32 $0x1B8E;
	s22 =	sld [smem:$0x3FFE];
	[sflag:s21] =	ssyncadd.s32 $0xFFFFFFFF  }
0xa2: {  	s24 =	simm.s32 $execute0_lowered;
	[smem:$0x3FD2] =	sst s23  }
0xa3: {  	s2 =	sshll.u32 s24, $0x1;
	_ =	strace $0x8000004C;
	[dreg:$0x1] =	wrdreg $0xFFFFFFFF  }
0xa4: {  	s25 =	simm.s32 $_size_execute0_lowered;
	s0 =	sadd.s32 s0, s2;
	[dreg:$0x0] =	wrdreg $0x0  }
0xa5: {  	s2 =	sshll.u32 s25, $0x1;
	[dreg:$0x2] =	wrdreg s0  }
0xa6: {  	[dreg:$0x3] =	wrdreg s2  }
0xa7: {  	[dreg:$0x4] =	wrdreg $0xC0  }
0xa8: {  	_ =	task [dreg:s4], $0x5FFFF  }
0xa9: {  	[dreg:$0x1] =	wrdreg $0xFFFFFFFF  }
0xaa: {  	[dreg:$0x0] =	wrdreg $0x60  }
0xab: {  	[dreg:$0x2] =	wrdreg s22  }
0xac: {  	[dreg:$0x3] =	wrdreg $0x9  }
0xad: {  	_ =	task.clear_ibuf [dreg:s4], $0x4FFFF;
	_ =	strace $0x9000004C  }
0xae: {  	s26 =	simm.s32 $0x9;
	_ =	strace $0x8000004E  }
0xaf: {  	_ =	swait.ge [sflag:s26], $0x1  }
0xb0: {  	[sflag:s26] =	ssyncadd.s32 $0xFFFFFFFF  }
0xb1: {  	_ =	strace $0x9000004E  }
0xb2: {  	_ =	sfence  }
0xb3: {  	s28 =	sld [smem:$0x0];
	_ =	sdelay $0x1  }
0xb4: {  	s29 =	srdreg.scid  }
0xb5: {  	s30 =	sshll.u32 s29, $0xD;
	s31 =	sshrl.u32 s29, $0x2  }
0xb6: {  	s1 =	sand.u32 $0x1, s29;
	s2 =	sand.u32 $0x4000, s30;
	s0 =	sadd.s32 s31, s28  }
0xb7: {  	s1 =	sor.u32 s2, s1;
	s0 =	sshll.u32 s0, $0x11  }
0xb8: {  	s0 =	sor.u32 s0, s1  }
0xb9: {  	s0 =	sadd.s32 $0x8F2B, s0  }
0xba: {  	[sflag:s0] =	ssyncadd.remote.s32 $0x1  }
0xbb: {  	_ =	sfence.sel $0xFFFF  }
0xbc: {  	[dreg:$0x0] =	wrdreg $0xFFFFFFFF;
	(pc) =	sbr.abs _section_cstart, $3  }
0xbd: {  	[dreg:$0x1] =	wrdreg $0xFFFFFFFF  }
0xbe: {  	_ =	task.clear_ibuf [dreg:s4], $0x2FFFF;
	_ =	strace $0x9FFFFFFF  }
0xbf: {  	(tm) =	ssettm $0x7FFFFFFF  }
tec
execute0_lowered:
.L_overlay_start_1:
0x0: {  	(tag) =	ssettag $0x1  }
0x1: {  	s0 =	stileid.u32  }
0x2: {  	s1 =	smin.u32 s0, $0x9  }
0x3: {  	s1 =	sadd.s32 s0, s1  }
0x4: {  	p0 =	slt.u32 s0, $0x9;
	s2 =	smul.u32 $0x50, s1;
	s1 =	simm.s32 $0xA0  }
0x5: {  	s1 =	simm.s32 @!p0 $0x50  }
0x6: {  	s1 =	sadd.s32 s1, s2  }
0x7: {  	s3 =	smin.u32 s1, $0x7D0  }
0x8: {  	s7 =	ssub.s32 s3, s2  }
0x9: {  	p0 =	sgt.s32 s7, $0x0  }
0xa: {  	s7 =	simm.s32 @!p0 $0x0  }
0xb: {  	s31 =	smul.u32 $0xCCCD, s7  }
0xc: {  	s9 =	rddreg [dreg:$0x0];
	s6 =	simm.s32 $0x1;
	s11 =	simm.s32 $0x3  }
0xd: {  	s13 =	simm.s32 $0x0;
	s12 =	simm.s32 $0x0;
	s8 =	sshrl.u32 s31, $0x16  }
0xe: {  	s4 =	sadd.s32 $0x9C800, s9;
	s5 =	sadd.s32 $0x9C600, s9;
	s10 =	smul.u32 $0x50, s8  }
.Ltmp0:
0xf: {  	s9 =	sadd.s32 $0xEAA00, s9;
	s1 =	rddreg [dreg:$0x1];
	(pc) =	sbr.rel .LBB2_1-.Ltmp0, $4  }
0x10: {  	_ =	strace $0x8000004D;
	p0 =	sne.s32 s7, s10;
	s10 =	simm.s32 $0x1  }
0x11: {  	[sflag:s6] =	ssyncpa.u1 $0x0;
	s7 =	simm.s32 $0x2;
	s10 =	simm.s32 @!p0 $0x0  }
0x12: {  	[sflag:s7] =	ssyncpa.u1 $0x0;
	p0 =	por $0x0, $0x0;
	s8 =	sadd.s32 s8, s10  }
0x13: {  	vm0 =	vmmov $0xff;
	vm1 =	vcmask $0x3F20;
	[sflag:s11] =	ssyncpa.u1 $0x0;
	s11 =	smov.u32 s2;
	s10 =	sadd.s32 $0x1, s8  }
.LBB2_6:
0x14: {  	[hbm:s17] =	stream.linear.scatter [tilespmem:s14], [sflag:$0x3], $0x400, $0x38;
	[tilespmem:$0x50A0] =	vst v63  }
.LBB2_7:
0x15: {  	s13 =	sadd.s32 $0x50, s11  }
0x16: {  	s15 =	smov.u32 s2;
	p2 =	slt.s32 s13, s3  }
0x17: {  	s15 =	smov.u32 @p2 s13;
	p2 =	sne.s32 s12, s10  }
.Ltmp1:
0x18: {  	p1 =	slt.u32 s12, $0x2;
	(pc) =	sbr.rel @!p2 .LBB2_8-.Ltmp1, $4  }
0x19: {  	s14 =	simm.s32 @!p1 $0x3  }
0x1a: {  	s16 =	sadd.s32 $0x1, s12;
	_ =	swait.ge @!p1 [sflag:s14], $0x2800  }
0x1b: {  	p0 =	por !p0, !p0;
	s13 =	smov.u32 s11;
	[sflag:s14] =	ssyncset.done @!p1 $0x0  }
0x1c: {  	s12 =	smov.u32 s16;
	s11 =	smov.u32 s15;
	[sflag:s14] =	ssyncadd.s32 @!p1 $0xFFFFD800  }
.LBB2_1:
0x1d: {  	p1 =	sge.u32 s12, s8  }
0x1e: {  	s14 =	sxor.u32 @!p1 $0xFFFFFFFF, s12  }
0x1f: {  	s14 =	sand.u32 @!p1 $0x1, s14  }
0x20: {  	s14 =	smul.u32 @!p1 $0x140, s14  }
0x21: {  	s31 =	sadd.s32 $0xFFFFFFFF, s12;
	s15 =	sshrl.u32 @!p1 s11, $0x3  }
0x22: {  	s16 =	sand.u32 @!p1 $0x7, s11;
	s15 =	sadd.s32 @!p1 s5, s15;
	s14 =	sshrl.u32 @!p1 s14, $0x2  }
0x23: {  	[tilespmem:s14], [sflag:$0x2] =	stream.linear.gather @!p1 [hbm4b:s15+s16], $0x50, $0x38;
	[tilespmem:$0x50A0] =	vst v63  }
0x24: {  	p1 =	sge.u32 s31, s8  }
.Ltmp2:
0x25: {  	_ = 	snop;
	(pc) =	sbr.rel @p1 .LBB2_7-.Ltmp2, $1  }
0x26: {  	_ =	sdelay $0x3  }
0x27: {  	s14 =	simm.s32 $0x1  }
0x28: {  	s14 =	simm.s32 @!p0 $0x0  }
0x29: {  	s15 =	smul.u32 $0x140, s14  }
0x2a: {  	_ =	swait.ge [sflag:s7], $0x50  }
0x2b: {  	[sflag:s7] =	ssyncset.done $0x0;
	s16 =	sshrl.u32 s15, $0x2  }
0x2c: {  	[sflag:s7] =	ssyncadd.s32 $0xFFFFFFB0;
	s15 =	sadd.s32 $0x0, s16  }
0x2d: {  	v0 =	vld.msk [tilespmem:s15+$0x0 ss:$0x1], $0xffff;
	_ =	sdelay $0x4  }
0x2e: {  	vm2 =	vgt.s32 v0, $0x0  }
0x2f: {  	v0 =	vnsel vm2, $0x0, v0  }
0x30: {  	v0 =	vmin.u32 v0, $0x4E1F  }
0x31: {  	v0 =	vshll.u32 v0, $0x4  }
0x32: {  	s14 =	smul.u32 $0xA000, s14;
	_ =	sdelay $0x1  }
0x33: {  	s14 =	sshrl.u32 s14, $0x2  }
0x34: {  	s14 =	sor.u32 $0xA0, s14  }
0x35: {  	[tilespmem:s14], [sflag:$0x1] =	stream.indirect_vreg.gather [hbm:s4], $0x80, v0, vm0, $0x38;
	[tilespmem:$0x50A0] =	vst v63  }
0x36: {  	s17 =	sadd.s32 $0x10, s16;
	s15 =	sadd.s32 $0x400, s14  }
0x37: {  	[tilespmem:s15], [sflag:$0x1] =	stream.indirect_vreg.gather [hbm:s4], $0x80, v0, vm1, $0x38;
	[tilespmem:$0x50A0] =	vst v63  }
0x38: {  	s18 =	simm.s32 $0x80;
	v0 =	vld.msk [tilespmem:s17+$0x0 ss:$0x1], $0xffff;
	s17 =	smov.u32 s14  }
.LBB2_3:
0x39: {  	p1 =	sne.s32 s18, $0x100;
	_ =	sdelay $0x4  }
0x3a: {  	vm2 =	vgt.s32 v0, $0x0  }
0x3b: {  	v0 =	vnsel vm2, $0x0, v0  }
0x3c: {  	v0 =	vmin.u32 v0, $0x4E1F  }
0x3d: {  	v0 =	vshll.u32 v0, $0x4;
	_ =	sdelay $0x3  }
.Ltmp3:
0x3e: {  	s19 =	sshra.s32 s18, $0x2;
	s17 =	sadd.s32 $0x800, s17;
	(pc) =	sbr.rel @p1 .LBB2_3-.Ltmp3, $4  }
0x3f: {  	[tilespmem:s17], [sflag:$0x1] =	stream.indirect_vreg.gather [hbm:s4], $0x80, v0, vm0, $0x38;
	[tilespmem:$0x50A0] =	vst v63  }
0x40: {  	s19 =	sadd.s32 s19, s16;
	s20 =	sadd.s32 $0x400, s17  }
0x41: {  	[tilespmem:s20], [sflag:$0x1] =	stream.indirect_vreg.gather [hbm:s4], $0x80, v0, vm1, $0x38;
	[tilespmem:$0x50A0] =	vst v63  }
0x42: {  	s18 =	sadd.s32 $0x40, s18;
	v0 =	vld.msk [tilespmem:s19+$0x0 ss:$0x1], $0xffff  }
0x43: {  	_ =	sdelay $0x3  }
0x44: {  	vm2 =	vgt.s32 v0, $0x0  }
0x45: {  	v0 =	vnsel vm2, $0x0, v0  }
0x46: {  	v0 =	vmin.u32 v0, $0x4E1F  }
0x47: {  	v0 =	vshll.u32 v0, $0x4;
	_ =	sdelay $0x3  }
0x48: {  	s16 =	sadd.s32 $0x800, s17  }
0x49: {  	[tilespmem:s16], [sflag:$0x1] =	stream.indirect_vreg.gather [hbm:s4], $0x80, v0, vm0, $0x38;
	[tilespmem:$0x50A0] =	vst v63  }
0x4a: {  	s16 =	sadd.s32 $0x400, s16  }
0x4b: {  	[tilespmem:s16], [sflag:$0x1] =	stream.indirect_vreg.gather [hbm:s4], $0x80, v0, vm1, $0x38;
	[tilespmem:$0x50A0] =	vst v63  }
0x4c: {  	s13 =	sshll.u32 s13, $0x4;
	_ =	swait.ge [sflag:s6], $0x2800  }
0x4d: {  	s13 =	sadd.s32 s13, s9;
	[sflag:s6] =	ssyncset.done $0x0  }
0x4e: {  	s17 =	sadd.s32 $0x0, s13;
	s16 =	simm.s32 $0x80;
	[sflag:s6] =	ssyncadd.s32 $0xFFFFD800  }
.LBB2_5:
0x4f: {  	[hbm:s17] =	stream.linear.scatter [tilespmem:s14], [sflag:$0x3], $0x400, $0x38;
	[tilespmem:$0x50A0] =	vst v63  }
0x50: {  	s17 =	smov.u32 s16;
	s14 =	smov.u32 s15;
	p1 =	sne.s32 s16, $0x480  }
.Ltmp4:
0x51: {  	s16 =	sadd.s32 $0x80, s16;
	(pc) =	sbr.rel @p1 .LBB2_5-.Ltmp4, $2  }
0x52: {  	_ =	sdelay $0x2  }
0x53: {  	s15 =	sadd.s32 $0x400, s15;
	s17 =	sadd.s32 s17, s13  }
.Ltmp5:
0x54: {  	_ = 	snop;
	(pc) =	sbr.rel .LBB2_6-.Ltmp5, $1  }
0x55: {  	_ =	sdelay $0x3  }
.LBB2_8:
0x56: {  	_ =	sfence.sel $0x180000  }
0x57: {  	s2 =	simm.s32 $0x2;
	[bflag:$0x0] =	sbarrier.arrive $0xFFFF  }
0x58: {  	s30 =	simm.s32 $0x3;
	[sflag:s2] =	ssyncpa.u1 $0x1  }
0x59: {  	s31 =	simm.s32 $0x1;
	[sflag:s30] =	ssyncpa.u1 $0x1  }
0x5a: {  	[sflag:s31] =	ssyncpa.u1 $0x1  }
0x5b: {  	p0 =	sne.s32 s0, $0x0;
	_ =	strace $0x9000004D  }
0x5c: {  	s0 =	sadd.s32 @!p0 $0x100000, s1;
	[bflag:$0x2] =	sbarrier.arrive $0xFFFF  }
0x5d: {  	[sflag:s0] =	ssyncadd.tile.s32 @!p0 $0x1;
	_ =	shalt  }
.Lfunc_end2:
_tile_overlayer_lowered:
.L_overlay_start_2:
0x5e: {  	(tag) =	ssettag $0x2  }
0x5f: {  	s0 =	rddreg [dreg:$0x0];
	s2 =	stileid.u32  }
0x60: {  	s1 =	rddreg [dreg:$0x1];
	p0 =	sne.s32 s2, $0x0  }
0x61: {  	s3 =	rddreg [dreg:$0x2];
	[bflag:$0x3] =	sbarrier.arrive $0xFFFF;
	s2 =	simm.s32 @!p0 $0x1C01  }
0x62: {  	[timem:s3], [sflag:s2] =	dma.local @!p0 [hbm:s0], s1  }
0x63: {  	s0 =	simm.s32 @!p0 $0x1  }
0x64: {  	_ =	swait.ge @!p0 [sflag:s0], s1  }
0x65: {  	s1 =	ssub.s32 @!p0 $0x0, s1;
	[sflag:s0] =	ssyncset.done @!p0 $0x0  }
0x66: {  	[sflag:s0] =	ssyncadd.s32 @!p0 s1  }
0x67: {  	[bflag:$0x3] =	sbarrier.arrive $0xFFFF  }
0x68: {  	_ =	shalt  }

</sc_bundles>
